<compile_context>
chip_gen: v7x
topology: tpu7x:2x2x1
jax: 0.10.2.dev20260603
libtpu: 0.0.44.dev20260713+nightly
codegen_flags: <defaults>
</compile_context>

<pallas_src>
import functools

import jax
import jax.numpy as jnp
from jax import lax
from jax.experimental import pallas as pl
from jax.experimental.pallas import tpu as pltpu
from jax.experimental.pallas import tpu_sc as plsc

D = 64
B = 16384
NC = 2
NS = 16
NW = NC * NS
BPW = B // NW
CHUNK = 128
NCH = BPW // CHUNK

BM = 2048

NT = 3
NITEMS = NT * NCH
KSLOTS = 7
GFLIGHT = 6

V0, V2, V4, V5 = 16, 400, 4, 64


def _sc_gather3(idx_list, tables):
    mesh = plsc.VectorSubcoreMesh(core_axis_name="c", subcore_axis_name="s")

    @functools.partial(
        pl.kernel,
        mesh=mesh,
        compiler_params=pltpu.CompilerParams(use_tc_tiling_on_sc=True),
        out_type=[jax.ShapeDtypeStruct((B, 2 * D), jnp.float32)] * NT,
        scratch_types=[
            pltpu.VMEM((NT, NCH, CHUNK), jnp.int32),
            pltpu.VMEM((KSLOTS, CHUNK, 2 * D), jnp.float32),
            pltpu.SemaphoreType.DMA((NT,)),
            pltpu.SemaphoreType.DMA((KSLOTS,)),
            pltpu.SemaphoreType.DMA((KSLOTS,)),
        ],
    )
    def k(*refs):
        idx_refs = refs[0:NT]
        tab_refs = refs[NT:2 * NT]
        out_refs = refs[2 * NT:3 * NT]
        idx_v, rows_v, isem, gsem, wsem = refs[3 * NT:]
        wid = lax.axis_index("s") * NC + lax.axis_index("c")
        base = wid * BPW

        icopies = [
            pltpu.async_copy(idx_refs[t].at[wid], idx_v.at[t], isem.at[t])
            for t in range(NT)
        ]
        idx_ready = set()

        def gather(i):
            t, j = divmod(i, NCH)
            s = i % KSLOTS
            if t not in idx_ready:
                icopies[t].wait()
                idx_ready.add(t)
            return pltpu.async_copy(
                tab_refs[t].at[idx_v.at[t, j]], rows_v.at[s], gsem.at[s])

        def writeout(i):
            t, j = divmod(i, NCH)
            s = i % KSLOTS
            return pltpu.async_copy(
                rows_v.at[s],
                out_refs[t].at[pl.ds(base + j * CHUNK, CHUNK)],
                wsem.at[s])

        gcopies = [None] * NITEMS
        wcopies = [None] * NITEMS
        for i in range(GFLIGHT):
            gcopies[i] = gather(i)
        for i in range(NITEMS):
            gcopies[i].wait()
            wcopies[i] = writeout(i)
            n = i + GFLIGHT
            if n < NITEMS:
                prev = n - KSLOTS
                if prev >= 0:
                    wcopies[prev].wait()
                gcopies[n] = gather(n)
        for i in range(NITEMS - KSLOTS, NITEMS):
            wcopies[i].wait()

    return k(*idx_list, *tables)


def _pre_body(e0, e2, e4, e5, w0, w2, w4, w5, w7, wn, bn, bfin,
              m0, m2, m4, m5, w7n, c0):
    m0[...] = jnp.dot(e0[...], w0[...], preferred_element_type=jnp.float32)
    m2[...] = jnp.dot(e2[...], w2[...], preferred_element_type=jnp.float32)
    m4[...] = jnp.dot(e4[...], w4[...], preferred_element_type=jnp.float32)
    m5[...] = jnp.dot(e5[...], w5[...], preferred_element_type=jnp.float32)
    w7n[...] = jnp.dot(wn[...], w7[...], preferred_element_type=jnp.float32)
    c0[...] = (jnp.dot(bn[...], w7[...], preferred_element_type=jnp.float32)
               + bfin[...])


def _precompute(e0, e2, e4, e5, W_final, W_num, bn2d, bf2d):
    wslice = lambda t: pl.BlockSpec((D, D), lambda i, t=t: (t, 0))
    full = lambda v: pl.BlockSpec((v, D), lambda i: (0, 0))
    one = pl.BlockSpec((1, D), lambda i: (0, 0))
    return pl.pallas_call(
        _pre_body,
        grid=(1,),
        in_specs=[full(V0), full(V2), full(V4), full(V5),
                  wslice(0), wslice(2), wslice(4), wslice(5), wslice(7),
                  one, one, one],
        out_specs=[full(V0), full(V2), full(V4), full(V5), one, one],
        out_shape=[
            jax.ShapeDtypeStruct((V0, D), jnp.float32),
            jax.ShapeDtypeStruct((V2, D), jnp.float32),
            jax.ShapeDtypeStruct((V4, D), jnp.float32),
            jax.ShapeDtypeStruct((V5, D), jnp.float32),
            jax.ShapeDtypeStruct((1, D), jnp.float32),
            jax.ShapeDtypeStruct((1, D), jnp.float32),
        ],
    )(e0, e2, e4, e5, W_final, W_final, W_final, W_final, W_final,
      W_num, bn2d, bf2d)


def _onehot_dot(idx2d, v, m):
    cols = lax.broadcasted_iota(jnp.int32, (BM, v), 1)
    oh = (cols == idx2d).astype(jnp.float32)
    return jnp.dot(oh, m, preferred_element_type=jnp.float32)


def _tc_body(f1, f3, f6, i0, i2, i4, i5, freq, w1, w3, w6,
             m0, m2, m4, m5, w7n, c0, out):
    acc = c0[...] + freq[...] * w7n[...]
    w1s = jnp.concatenate([w1[...], w1[...]], axis=0)
    w3s = jnp.concatenate([w3[...], w3[...]], axis=0)
    w6s = jnp.concatenate([w6[...], w6[...]], axis=0)
    acc = acc + jnp.dot(f1[...], w1s, preferred_element_type=jnp.float32)
    acc = acc + jnp.dot(f3[...], w3s, preferred_element_type=jnp.float32)
    acc = acc + jnp.dot(f6[...], w6s, preferred_element_type=jnp.float32)
    acc = acc + _onehot_dot(i0[...], V0, m0[...])
    acc = acc + _onehot_dot(i2[...], V2, m2[...])
    acc = acc + _onehot_dot(i4[...], V4, m4[...])
    acc = acc + _onehot_dot(i5[...], V5, m5[...])
    out[...] = acc


def _tc_project(f1, f3, f6, idx_small, freq2d, W_final, pre):
    m0, m2, m4, m5, w7n, c0 = pre
    feat_spec = pl.BlockSpec((BM, 2 * D), lambda i: (i, 0))
    row_spec = pl.BlockSpec((BM, D), lambda i: (i, 0))
    col1 = pl.BlockSpec((BM, 1), lambda i: (i, 0))
    wslice = lambda t: pl.BlockSpec((D, D), lambda i, t=t: (t, 0))
    full = lambda v: pl.BlockSpec((v, D), lambda i: (0, 0))
    one = pl.BlockSpec((1, D), lambda i: (0, 0))
    return pl.pallas_call(
        _tc_body,
        grid=(B // BM,),
        in_specs=[feat_spec, feat_spec, feat_spec,
                  col1, col1, col1, col1, col1,
                  wslice(1), wslice(3), wslice(6),
                  full(V0), full(V2), full(V4), full(V5), one, one],
        out_specs=row_spec,
        out_shape=jax.ShapeDtypeStruct((B, D), jnp.float32),
    )(f1, f3, f6, *idx_small, freq2d, W_final, W_final, W_final,
      m0, m2, m4, m5, w7n, c0)


def kernel(base_mut, b_id, amino_mut, a_id, amino_flag, protein_region, c_id,
           freq_value,
           emb_base_mut, emb_b_id, emb_amino_mut, emb_a_id, emb_amino_flag,
           emb_protein_region, emb_c_id,
           W_num, b_num, W_final, b_final):
    idx_list = [a.reshape(NW, NCH, CHUNK) for a in (b_id, a_id, c_id)]
    tables = [
        jnp.concatenate([t, jnp.zeros(t.shape, t.dtype)], axis=1)
        for t in (emb_b_id, emb_a_id, emb_c_id)
    ]

    feats = _sc_gather3(idx_list, tables)

    bn2d = b_num.reshape(1, D)
    bf2d = b_final.reshape(1, D)
    pre = _precompute(emb_base_mut, emb_amino_mut, emb_amino_flag,
                      emb_protein_region, W_final, W_num, bn2d, bf2d)
    idx_small = [a.reshape(B, 1)
                 for a in (base_mut, amino_mut, amino_flag, protein_region)]
    freq2d = freq_value.reshape(B, 1)
    return _tc_project(feats[0], feats[1], feats[2], idx_small, freq2d,
                       W_final, pre)

# --- scband reference (transcript-rebuilt; emitter-appended) ---
"""Pipeline reference for scband-mutation-event-encoder-48473000902786 (READ-ONLY COPY).

The authoritative reference and input builder live on the scoring server;
editing this copy changes nothing except your own understanding.
"""

import jax, jax.numpy as jnp
import numpy as np

VOCAB = {"base_mut": 16, "b_id": 100000, "amino_mut": 400, "a_id": 100000, "amino_flag": 4, "protein_region": 64, "c_id": 100000}
NAMES = list(VOCAB.keys())
D = 64
B = 16384


def setup_inputs(seed: int = 0) -> dict:
    key = jax.random.key(seed)
    ks = jax.random.split(key, 24)
    inp = {}
    for i, n in enumerate(NAMES):
        inp[n] = jax.random.randint(ks[i], (B,), 0, VOCAB[n], dtype=jnp.int32)
    inp["freq_value"] = jax.random.uniform(ks[7], (B,), dtype=jnp.float32)
    for i, n in enumerate(NAMES):
        inp["emb_" + n] = jax.random.normal(ks[8 + i], (VOCAB[n], D), dtype=jnp.float32) * 0.02
    inp["W_num"] = jax.random.normal(ks[16], (1, D), dtype=jnp.float32) * 0.05
    inp["b_num"] = jnp.zeros((D,), dtype=jnp.float32)
    inp["W_final"] = jax.random.normal(ks[17], (8 * D, D), dtype=jnp.float32) * 0.05
    inp["b_final"] = jnp.zeros((D,), dtype=jnp.float32)
    return inp


def reference(base_mut, b_id, amino_mut, a_id, amino_flag, protein_region, c_id,
              freq_value,
              emb_base_mut, emb_b_id, emb_amino_mut, emb_a_id, emb_amino_flag,
              emb_protein_region, emb_c_id,
              W_num, b_num, W_final, b_final):
    # categorical embedding lookups (gathers), in feature_map order 1..7
    feats = [
        jnp.take(emb_base_mut, base_mut, axis=0),
        jnp.take(emb_b_id, b_id, axis=0),
        jnp.take(emb_amino_mut, amino_mut, axis=0),
        jnp.take(emb_a_id, a_id, axis=0),
        jnp.take(emb_amino_flag, amino_flag, axis=0),
        jnp.take(emb_protein_region, protein_region, axis=0),
        jnp.take(emb_c_id, c_id, axis=0),
    ]
    # numerical feature: unsqueeze, concat (single feature), project
    concatenated_numerical = freq_value[:, None]
    projected_numerical = concatenated_numerical @ W_num + b_num
    feats.append(projected_numerical)
    concatenated_all = jnp.concatenate(feats, axis=-1)
    return concatenated_all @ W_final + b_final

if __name__ == "__main__":
    import jax
    _d = setup_inputs()
    print(jax.jit(kernel)(*tuple(_d.values())))

</pallas_src>

<mosaic_0001>
#map = affine_map<(d0, d1) -> (0, 0, 0)>
#map1 = affine_map<(d0, d1) -> (0, 0)>
module attributes {stable_mosaic.version = 14 : i64} {
  func.func @k(%arg0: i32, %arg1: i32, %arg2: memref<32x4x128xi32, #tpu.memory_space<hbm>>, %arg3: memref<32x4x128xi32, #tpu.memory_space<hbm>>, %arg4: memref<32x4x128xi32, #tpu.memory_space<hbm>>, %arg5: memref<100000x128xf32, #tpu.memory_space<hbm>>, %arg6: memref<100000x128xf32, #tpu.memory_space<hbm>>, %arg7: memref<100000x128xf32, #tpu.memory_space<hbm>>, %arg8: memref<16384x128xf32, #tpu.memory_space<hbm>>, %arg9: memref<16384x128xf32, #tpu.memory_space<hbm>>, %arg10: memref<16384x128xf32, #tpu.memory_space<hbm>>, %arg11: memref<3x4x128xi32, #tpu.memory_space<vmem>>, %arg12: memref<7x128x128xf32, #tpu.memory_space<vmem>>, %arg13: memref<3x!tpu.dma_semaphore, #tpu.memory_space<semaphore_mem>>, %arg14: memref<7x!tpu.dma_semaphore, #tpu.memory_space<semaphore_mem>>, %arg15: memref<7x!tpu.dma_semaphore, #tpu.memory_space<semaphore_mem>>) attributes {dimension_semantics = [#tpu.dimension_semantics<core_parallel>, #tpu.dimension_semantics<subcore_parallel>], iteration_bounds = array<i64: 2, 16>, scalar_prefetch = 0 : i64, scratch_operands = 5 : i64, tpu.core_type = #tpu.core_type<sc_vector_subcore>, window_params = [{transform_indices = #map}, {transform_indices = #map}, {transform_indices = #map}, {transform_indices = #map1}, {transform_indices = #map1}, {transform_indices = #map1}, {transform_indices = #map1}, {transform_indices = #map1}, {transform_indices = #map1}]} {
    %mul3A = arith.constant 2 : i32
    %mul3A_0 = arith.muli %arg1, %mul3A : i32
    %add3A = arith.addi %mul3A_0, %arg0 : i32
    %mul3A_1 = arith.constant 512 : i32
    %mul3A_2 = arith.muli %add3A, %mul3A_1 : i32
    %dma_start3A = arith.constant 0 : i32
    %dma_start3A_3 = arith.constant 0 : i32
    %dma_start3A_4 = arith.constant 0 : i32
    %dma_start3A_5 = arith.constant 0 : i32
    %dma_start3A_6 = tpu.memref_slice %arg11[%dma_start3A, %dma_start3A_4, %dma_start3A_5] : memref<3x4x128xi32, #tpu.memory_space<vmem>> -> memref<1x4x128xi32, #tpu.memory_space<vmem>>
    %dma_start3A_7 = tpu.memref_squeeze %dma_start3A_6 : memref<1x4x128xi32, #tpu.memory_space<vmem>> -> memref<4x128xi32, #tpu.memory_space<vmem>>
    %dma_start3A_8 = arith.constant 0 : i32
    %dma_start3A_9 = arith.constant 0 : i32
    %dma_start3A_10 = tpu.memref_slice %arg2[%add3A, %dma_start3A_8, %dma_start3A_9] : memref<32x4x128xi32, #tpu.memory_space<hbm>> -> memref<1x4x128xi32, #tpu.memory_space<hbm>>
    %dma_start3A_11 = tpu.memref_squeeze %dma_start3A_10 : memref<1x4x128xi32, #tpu.memory_space<hbm>> -> memref<4x128xi32, #tpu.memory_space<hbm>>
    %dma_start3A_12 = tpu.memref_slice %arg13[%dma_start3A_3] : memref<3x!tpu.dma_semaphore, #tpu.memory_space<semaphore_mem>> -> memref<1x!tpu.dma_semaphore, #tpu.memory_space<semaphore_mem>>
    %dma_start3A_13 = tpu.memref_squeeze %dma_start3A_12 : memref<1x!tpu.dma_semaphore, #tpu.memory_space<semaphore_mem>> -> memref<!tpu.dma_semaphore, #tpu.memory_space<semaphore_mem>>
    %dma_start3A_14 = arith.constant 0 : i32
    %dma_start3A_15 = arith.constant 0 : i32
    %dma_start3A_16 = tpu.memref_slice %arg11[%dma_start3A, %dma_start3A_14, %dma_start3A_15] : memref<3x4x128xi32, #tpu.memory_space<vmem>> -> memref<1x4x128xi32, #tpu.memory_space<vmem>>
    %dma_start3A_17 = tpu.memref_squeeze %dma_start3A_16 : memref<1x4x128xi32, #tpu.memory_space<vmem>> -> memref<4x128xi32, #tpu.memory_space<vmem>>
    %dma_start3A_18 = arith.constant 0 : i32
    %dma_start3A_19 = arith.constant 0 : i32
    %dma_start3A_20 = tpu.memref_slice %arg2[%add3A, %dma_start3A_18, %dma_start3A_19] : memref<32x4x128xi32, #tpu.memory_space<hbm>> -> memref<1x4x128xi32, #tpu.memory_space<hbm>>
    %dma_start3A_21 = tpu.memref_squeeze %dma_start3A_20 : memref<1x4x128xi32, #tpu.memory_space<hbm>> -> memref<4x128xi32, #tpu.memory_space<hbm>>
    tpu.enqueue_dma source(%dma_start3A_21 : memref<4x128xi32, #tpu.memory_space<hbm>>) target(%dma_start3A_17 : memref<4x128xi32, #tpu.memory_space<vmem>>) target_semaphore(%dma_start3A_13 : memref<!tpu.dma_semaphore, #tpu.memory_space<semaphore_mem>>)
    %dma_start3A_22 = arith.constant 1 : i32
    %dma_start3A_23 = arith.constant 1 : i32
    %dma_start3A_24 = arith.constant 0 : i32
    %dma_start3A_25 = arith.constant 0 : i32
    %dma_start3A_26 = tpu.memref_slice %arg11[%dma_start3A_22, %dma_start3A_24, %dma_start3A_25] : memref<3x4x128xi32, #tpu.memory_space<vmem>> -> memref<1x4x128xi32, #tpu.memory_space<vmem>>
    %dma_start3A_27 = tpu.memref_squeeze %dma_start3A_26 : memref<1x4x128xi32, #tpu.memory_space<vmem>> -> memref<4x128xi32, #tpu.memory_space<vmem>>
    %dma_start3A_28 = arith.constant 0 : i32
    %dma_start3A_29 = arith.constant 0 : i32
    %dma_start3A_30 = tpu.memref_slice %arg3[%add3A, %dma_start3A_28, %dma_start3A_29] : memref<32x4x128xi32, #tpu.memory_space<hbm>> -> memref<1x4x128xi32, #tpu.memory_space<hbm>>
    %dma_start3A_31 = tpu.memref_squeeze %dma_start3A_30 : memref<1x4x128xi32, #tpu.memory_space<hbm>> -> memref<4x128xi32, #tpu.memory_space<hbm>>
    %dma_start3A_32 = tpu.memref_slice %arg13[%dma_start3A_23] : memref<3x!tpu.dma_semaphore, #tpu.memory_space<semaphore_mem>> -> memref<1x!tpu.dma_semaphore, #tpu.memory_space<semaphore_mem>>
    %dma_start3A_33 = tpu.memref_squeeze %dma_start3A_32 : memref<1x!tpu.dma_semaphore, #tpu.memory_space<semaphore_mem>> -> memref<!tpu.dma_semaphore, #tpu.memory_space<semaphore_mem>>
    %dma_start3A_34 = arith.constant 0 : i32
    %dma_start3A_35 = arith.constant 0 : i32
    %dma_start3A_36 = tpu.memref_slice %arg11[%dma_start3A_22, %dma_start3A_34, %dma_start3A_35] : memref<3x4x128xi32, #tpu.memory_space<vmem>> -> memref<1x4x128xi32, #tpu.memory_space<vmem>>
    %dma_start3A_37 = tpu.memref_squeeze %dma_start3A_36 : memref<1x4x128xi32, #tpu.memory_space<vmem>> -> memref<4x128xi32, #tpu.memory_space<vmem>>
    %dma_start3A_38 = arith.constant 0 : i32
    %dma_start3A_39 = arith.constant 0 : i32
    %dma_start3A_40 = tpu.memref_slice %arg3[%add3A, %dma_start3A_38, %dma_start3A_39] : memref<32x4x128xi32, #tpu.memory_space<hbm>> -> memref<1x4x128xi32, #tpu.memory_space<hbm>>
    %dma_start3A_41 = tpu.memref_squeeze %dma_start3A_40 : memref<1x4x128xi32, #tpu.memory_space<hbm>> -> memref<4x128xi32, #tpu.memory_space<hbm>>
    tpu.enqueue_dma source(%dma_start3A_41 : memref<4x128xi32, #tpu.memory_space<hbm>>) target(%dma_start3A_37 : memref<4x128xi32, #tpu.memory_space<vmem>>) target_semaphore(%dma_start3A_33 : memref<!tpu.dma_semaphore, #tpu.memory_space<semaphore_mem>>)
    %dma_start3A_42 = arith.constant 2 : i32
    %dma_start3A_43 = arith.constant 2 : i32
    %dma_start3A_44 = arith.constant 0 : i32
    %dma_start3A_45 = arith.constant 0 : i32
    %dma_start3A_46 = tpu.memref_slice %arg11[%dma_start3A_42, %dma_start3A_44, %dma_start3A_45] : memref<3x4x128xi32, #tpu.memory_space<vmem>> -> memref<1x4x128xi32, #tpu.memory_space<vmem>>
    %dma_start3A_47 = tpu.memref_squeeze %dma_start3A_46 : memref<1x4x128xi32, #tpu.memory_space<vmem>> -> memref<4x128xi32, #tpu.memory_space<vmem>>
    %dma_start3A_48 = arith.constant 0 : i32
    %dma_start3A_49 = arith.constant 0 : i32
    %dma_start3A_50 = tpu.memref_slice %arg4[%add3A, %dma_start3A_48, %dma_start3A_49] : memref<32x4x128xi32, #tpu.memory_space<hbm>> -> memref<1x4x128xi32, #tpu.memory_space<hbm>>
    %dma_start3A_51 = tpu.memref_squeeze %dma_start3A_50 : memref<1x4x128xi32, #tpu.memory_space<hbm>> -> memref<4x128xi32, #tpu.memory_space<hbm>>
    %dma_start3A_52 = tpu.memref_slice %arg13[%dma_start3A_43] : memref<3x!tpu.dma_semaphore, #tpu.memory_space<semaphore_mem>> -> memref<1x!tpu.dma_semaphore, #tpu.memory_space<semaphore_mem>>
    %dma_start3A_53 = tpu.memref_squeeze %dma_start3A_52 : memref<1x!tpu.dma_semaphore, #tpu.memory_space<semaphore_mem>> -> memref<!tpu.dma_semaphore, #tpu.memory_space<semaphore_mem>>
    %dma_start3A_54 = arith.constant 0 : i32
    %dma_start3A_55 = arith.constant 0 : i32
    %dma_start3A_56 = tpu.memref_slice %arg11[%dma_start3A_42, %dma_start3A_54, %dma_start3A_55] : memref<3x4x128xi32, #tpu.memory_space<vmem>> -> memref<1x4x128xi32, #tpu.memory_space<vmem>>
    %dma_start3A_57 = tpu.memref_squeeze %dma_start3A_56 : memref<1x4x128xi32, #tpu.memory_space<vmem>> -> memref<4x128xi32, #tpu.memory_space<vmem>>
    %dma_start3A_58 = arith.constant 0 : i32
    %dma_start3A_59 = arith.constant 0 : i32
    %dma_start3A_60 = tpu.memref_slice %arg4[%add3A, %dma_start3A_58, %dma_start3A_59] : memref<32x4x128xi32, #tpu.memory_space<hbm>> -> memref<1x4x128xi32, #tpu.memory_space<hbm>>
    %dma_start3A_61 = tpu.memref_squeeze %dma_start3A_60 : memref<1x4x128xi32, #tpu.memory_space<hbm>> -> memref<4x128xi32, #tpu.memory_space<hbm>>
    tpu.enqueue_dma source(%dma_start3A_61 : memref<4x128xi32, #tpu.memory_space<hbm>>) target(%dma_start3A_57 : memref<4x128xi32, #tpu.memory_space<vmem>>) target_semaphore(%dma_start3A_53 : memref<!tpu.dma_semaphore, #tpu.memory_space<semaphore_mem>>)
    %dma_wait3A = arith.constant 0 : i32
    %dma_wait3A_62 = arith.constant 0 : i32
    %dma_wait3A_63 = arith.constant 0 : i32
    %dma_wait3A_64 = arith.constant 0 : i32
    %dma_wait3A_65 = tpu.memref_slice %arg11[%dma_wait3A, %dma_wait3A_63, %dma_wait3A_64] : memref<3x4x128xi32, #tpu.memory_space<vmem>> -> memref<1x4x128xi32, #tpu.memory_space<vmem>>
    %dma_wait3A_66 = tpu.memref_squeeze %dma_wait3A_65 : memref<1x4x128xi32, #tpu.memory_space<vmem>> -> memref<4x128xi32, #tpu.memory_space<vmem>>
    %dma_wait3A_67 = arith.constant 0 : i32
    %dma_wait3A_68 = arith.constant 0 : i32
    %dma_wait3A_69 = tpu.memref_slice %arg2[%add3A, %dma_wait3A_67, %dma_wait3A_68] : memref<32x4x128xi32, #tpu.memory_space<hbm>> -> memref<1x4x128xi32, #tpu.memory_space<hbm>>
    %dma_wait3A_70 = tpu.memref_squeeze %dma_wait3A_69 : memref<1x4x128xi32, #tpu.memory_space<hbm>> -> memref<4x128xi32, #tpu.memory_space<hbm>>
    %dma_wait3A_71 = tpu.memref_slice %arg13[%dma_wait3A_62] : memref<3x!tpu.dma_semaphore, #tpu.memory_space<semaphore_mem>> -> memref<1x!tpu.dma_semaphore, #tpu.memory_space<semaphore_mem>>
    %dma_wait3A_72 = tpu.memref_squeeze %dma_wait3A_71 : memref<1x!tpu.dma_semaphore, #tpu.memory_space<semaphore_mem>> -> memref<!tpu.dma_semaphore, #tpu.memory_space<semaphore_mem>>
    %dma_wait3A_73 = arith.constant 0 : i32
    %dma_wait3A_74 = arith.constant 0 : i32
    %dma_wait3A_75 = tpu.memref_slice %arg11[%dma_wait3A, %dma_wait3A_73, %dma_wait3A_74] : memref<3x4x128xi32, #tpu.memory_space<vmem>> -> memref<1x4x128xi32, #tpu.memory_space<vmem>>
    %dma_wait3A_76 = tpu.memref_squeeze %dma_wait3A_75 : memref<1x4x128xi32, #tpu.memory_space<vmem>> -> memref<4x128xi32, #tpu.memory_space<vmem>>
    %dma_wait3A_77 = arith.constant 0 : i32
    %dma_wait3A_78 = arith.constant 0 : i32
    %dma_wait3A_79 = tpu.memref_slice %arg2[%add3A, %dma_wait3A_77, %dma_wait3A_78] : memref<32x4x128xi32, #tpu.memory_space<hbm>> -> memref<1x4x128xi32, #tpu.memory_space<hbm>>
    %dma_wait3A_80 = tpu.memref_squeeze %dma_wait3A_79 : memref<1x4x128xi32, #tpu.memory_space<hbm>> -> memref<4x128xi32, #tpu.memory_space<hbm>>
    tpu.wait_dma2 semaphore(%dma_wait3A_72 : memref<!tpu.dma_semaphore, #tpu.memory_space<semaphore_mem>>) src(%dma_wait3A_80 : memref<4x128xi32, #tpu.memory_space<hbm>>) dst(%dma_wait3A_76 : memref<4x128xi32, #tpu.memory_space<vmem>>)
    %dma_start3A_81 = arith.constant 0 : i32
    %dma_start3A_82 = arith.constant 0 : i32
    %dma_start3A_83 = arith.constant 0 : i32
    %dma_start3A_84 = arith.constant 0 : i32
    %dma_start3A_85 = arith.constant 0 : i32
    %dma_start3A_86 = arith.constant 0 : i32
    %dma_start3A_87 = tpu.memref_slice %arg12[%dma_start3A_83, %dma_start3A_85, %dma_start3A_86] : memref<7x128x128xf32, #tpu.memory_space<vmem>> -> memref<1x128x128xf32, #tpu.memory_space<vmem>>
    %dma_start3A_88 = tpu.memref_squeeze %dma_start3A_87 : memref<1x128x128xf32, #tpu.memory_space<vmem>> -> memref<128x128xf32, #tpu.memory_space<vmem>>
    %dma_start3A_89 = arith.constant 0 : i32
    %dma_start3A_90 = tpu.memref_slice %arg11[%dma_start3A_81, %dma_start3A_82, %dma_start3A_89] : memref<3x4x128xi32, #tpu.memory_space<vmem>> -> memref<1x1x128xi32, #tpu.memory_space<vmem>>
    %dma_start3A_91 = tpu.memref_squeeze %dma_start3A_90 : memref<1x1x128xi32, #tpu.memory_space<vmem>> -> memref<128xi32, #tpu.memory_space<vmem>>
    %dma_start3A_92 = arith.constant 0 : i32
    %dma_start3A_93 = arith.constant 0 : i32
    %dma_start3A_94 = tpu.memref_slice %arg5[%dma_start3A_92, %dma_start3A_93] : memref<100000x128xf32, #tpu.memory_space<hbm>> -> memref<100000x128xf32, #tpu.memory_space<hbm>>
    %dma_start3A_95 = tpu.memref_slice %arg14[%dma_start3A_84] : memref<7x!tpu.dma_semaphore, #tpu.memory_space<semaphore_mem>> -> memref<1x!tpu.dma_semaphore, #tpu.memory_space<semaphore_mem>>
    %dma_start3A_96 = tpu.memref_squeeze %dma_start3A_95 : memref<1x!tpu.dma_semaphore, #tpu.memory_space<semaphore_mem>> -> memref<!tpu.dma_semaphore, #tpu.memory_space<semaphore_mem>>
    tpu.enqueue_indirect_dma source(%dma_start3A_94 : memref<100000x128xf32, #tpu.memory_space<hbm>>) target(%dma_start3A_88 : memref<128x128xf32, #tpu.memory_space<vmem>>) offsets(%dma_start3A_91 : memref<128xi32, #tpu.memory_space<vmem>>) semaphore(%dma_start3A_96 : memref<!tpu.dma_semaphore, #tpu.memory_space<semaphore_mem>>)
    %dma_start3A_97 = arith.constant 0 : i32
    %dma_start3A_98 = arith.constant 1 : i32
    %dma_start3A_99 = arith.constant 1 : i32
    %dma_start3A_100 = arith.constant 1 : i32
    %dma_start3A_101 = arith.constant 0 : i32
    %dma_start3A_102 = arith.constant 0 : i32
    %dma_start3A_103 = tpu.memref_slice %arg12[%dma_start3A_99, %dma_start3A_101, %dma_start3A_102] : memref<7x128x128xf32, #tpu.memory_space<vmem>> -> memref<1x128x128xf32, #tpu.memory_space<vmem>>
    %dma_start3A_104 = tpu.memref_squeeze %dma_start3A_103 : memref<1x128x128xf32, #tpu.memory_space<vmem>> -> memref<128x128xf32, #tpu.memory_space<vmem>>
    %dma_start3A_105 = arith.constant 0 : i32
    %dma_start3A_106 = tpu.memref_slice %arg11[%dma_start3A_97, %dma_start3A_98, %dma_start3A_105] : memref<3x4x128xi32, #tpu.memory_space<vmem>> -> memref<1x1x128xi32, #tpu.memory_space<vmem>>
    %dma_start3A_107 = tpu.memref_squeeze %dma_start3A_106 : memref<1x1x128xi32, #tpu.memory_space<vmem>> -> memref<128xi32, #tpu.memory_space<vmem>>
    %dma_start3A_108 = arith.constant 0 : i32
    %dma_start3A_109 = arith.constant 0 : i32
    %dma_start3A_110 = tpu.memref_slice %arg5[%dma_start3A_108, %dma_start3A_109] : memref<100000x128xf32, #tpu.memory_space<hbm>> -> memref<100000x128xf32, #tpu.memory_space<hbm>>
    %dma_start3A_111 = tpu.memref_slice %arg14[%dma_start3A_100] : memref<7x!tpu.dma_semaphore, #tpu.memory_space<semaphore_mem>> -> memref<1x!tpu.dma_semaphore, #tpu.memory_space<semaphore_mem>>
    %dma_start3A_112 = tpu.memref_squeeze %dma_start3A_111 : memref<1x!tpu.dma_semaphore, #tpu.memory_space<semaphore_mem>> -> memref<!tpu.dma_semaphore, #tpu.memory_space<semaphore_mem>>
    tpu.enqueue_indirect_dma source(%dma_start3A_110 : memref<100000x128xf32, #tpu.memory_space<hbm>>) target(%dma_start3A_104 : memref<128x128xf32, #tpu.memory_space<vmem>>) offsets(%dma_start3A_107 : memref<128xi32, #tpu.memory_space<vmem>>) semaphore(%dma_start3A_112 : memref<!tpu.dma_semaphore, #tpu.memory_space<semaphore_mem>>)
    %dma_start3A_113 = arith.constant 0 : i32
    %dma_start3A_114 = arith.constant 2 : i32
    %dma_start3A_115 = arith.constant 2 : i32
    %dma_start3A_116 = arith.constant 2 : i32
    %dma_start3A_117 = arith.constant 0 : i32
    %dma_start3A_118 = arith.constant 0 : i32
    %dma_start3A_119 = tpu.memref_slice %arg12[%dma_start3A_115, %dma_start3A_117, %dma_start3A_118] : memref<7x128x128xf32, #tpu.memory_space<vmem>> -> memref<1x128x128xf32, #tpu.memory_space<vmem>>
    %dma_start3A_120 = tpu.memref_squeeze %dma_start3A_119 : memref<1x128x128xf32, #tpu.memory_space<vmem>> -> memref<128x128xf32, #tpu.memory_space<vmem>>
    %dma_start3A_121 = arith.constant 0 : i32
    %dma_start3A_122 = tpu.memref_slice %arg11[%dma_start3A_113, %dma_start3A_114, %dma_start3A_121] : memref<3x4x128xi32, #tpu.memory_space<vmem>> -> memref<1x1x128xi32, #tpu.memory_space<vmem>>
    %dma_start3A_123 = tpu.memref_squeeze %dma_start3A_122 : memref<1x1x128xi32, #tpu.memory_space<vmem>> -> memref<128xi32, #tpu.memory_space<vmem>>
    %dma_start3A_124 = arith.constant 0 : i32
    %dma_start3A_125 = arith.constant 0 : i32
    %dma_start3A_126 = tpu.memref_slice %arg5[%dma_start3A_124, %dma_start3A_125] : memref<100000x128xf32, #tpu.memory_space<hbm>> -> memref<100000x128xf32, #tpu.memory_space<hbm>>
    %dma_start3A_127 = tpu.memref_slice %arg14[%dma_start3A_116] : memref<7x!tpu.dma_semaphore, #tpu.memory_space<semaphore_mem>> -> memref<1x!tpu.dma_semaphore, #tpu.memory_space<semaphore_mem>>
    %dma_start3A_128 = tpu.memref_squeeze %dma_start3A_127 : memref<1x!tpu.dma_semaphore, #tpu.memory_space<semaphore_mem>> -> memref<!tpu.dma_semaphore, #tpu.memory_space<semaphore_mem>>
    tpu.enqueue_indirect_dma source(%dma_start3A_126 : memref<100000x128xf32, #tpu.memory_space<hbm>>) target(%dma_start3A_120 : memref<128x128xf32, #tpu.memory_space<vmem>>) offsets(%dma_start3A_123 : memref<128xi32, #tpu.memory_space<vmem>>) semaphore(%dma_start3A_128 : memref<!tpu.dma_semaphore, #tpu.memory_space<semaphore_mem>>)
    %dma_start3A_129 = arith.constant 0 : i32
    %dma_start3A_130 = arith.constant 3 : i32
    %dma_start3A_131 = arith.constant 3 : i32
    %dma_start3A_132 = arith.constant 3 : i32
    %dma_start3A_133 = arith.constant 0 : i32
    %dma_start3A_134 = arith.constant 0 : i32
    %dma_start3A_135 = tpu.memref_slice %arg12[%dma_start3A_131, %dma_start3A_133, %dma_start3A_134] : memref<7x128x128xf32, #tpu.memory_space<vmem>> -> memref<1x128x128xf32, #tpu.memory_space<vmem>>
    %dma_start3A_136 = tpu.memref_squeeze %dma_start3A_135 : memref<1x128x128xf32, #tpu.memory_space<vmem>> -> memref<128x128xf32, #tpu.memory_space<vmem>>
    %dma_start3A_137 = arith.constant 0 : i32
    %dma_start3A_138 = tpu.memref_slice %arg11[%dma_start3A_129, %dma_start3A_130, %dma_start3A_137] : memref<3x4x128xi32, #tpu.memory_space<vmem>> -> memref<1x1x128xi32, #tpu.memory_space<vmem>>
    %dma_start3A_139 = tpu.memref_squeeze %dma_start3A_138 : memref<1x1x128xi32, #tpu.memory_space<vmem>> -> memref<128xi32, #tpu.memory_space<vmem>>
    %dma_start3A_140 = arith.constant 0 : i32
    %dma_start3A_141 = arith.constant 0 : i32
    %dma_start3A_142 = tpu.memref_slice %arg5[%dma_start3A_140, %dma_start3A_141] : memref<100000x128xf32, #tpu.memory_space<hbm>> -> memref<100000x128xf32, #tpu.memory_space<hbm>>
    %dma_start3A_143 = tpu.memref_slice %arg14[%dma_start3A_132] : memref<7x!tpu.dma_semaphore, #tpu.memory_space<semaphore_mem>> -> memref<1x!tpu.dma_semaphore, #tpu.memory_space<semaphore_mem>>
    %dma_start3A_144 = tpu.memref_squeeze %dma_start3A_143 : memref<1x!tpu.dma_semaphore, #tpu.memory_space<semaphore_mem>> -> memref<!tpu.dma_semaphore, #tpu.memory_space<semaphore_mem>>
    tpu.enqueue_indirect_dma source(%dma_start3A_142 : memref<100000x128xf32, #tpu.memory_space<hbm>>) target(%dma_start3A_136 : memref<128x128xf32, #tpu.memory_space<vmem>>) offsets(%dma_start3A_139 : memref<128xi32, #tpu.memory_space<vmem>>) semaphore(%dma_start3A_144 : memref<!tpu.dma_semaphore, #tpu.memory_space<semaphore_mem>>)
    %dma_wait3A_145 = arith.constant 1 : i32
    %dma_wait3A_146 = arith.constant 1 : i32
    %dma_wait3A_147 = arith.constant 0 : i32
    %dma_wait3A_148 = arith.constant 0 : i32
    %dma_wait3A_149 = tpu.memref_slice %arg11[%dma_wait3A_145, %dma_wait3A_147, %dma_wait3A_148] : memref<3x4x128xi32, #tpu.memory_space<vmem>> -> memref<1x4x128xi32, #tpu.memory_space<vmem>>
    %dma_wait3A_150 = tpu.memref_squeeze %dma_wait3A_149 : memref<1x4x128xi32, #tpu.memory_space<vmem>> -> memref<4x128xi32, #tpu.memory_space<vmem>>
    %dma_wait3A_151 = arith.constant 0 : i32
    %dma_wait3A_152 = arith.constant 0 : i32
    %dma_wait3A_153 = tpu.memref_slice %arg3[%add3A, %dma_wait3A_151, %dma_wait3A_152] : memref<32x4x128xi32, #tpu.memory_space<hbm>> -> memref<1x4x128xi32, #tpu.memory_space<hbm>>
    %dma_wait3A_154 = tpu.memref_squeeze %dma_wait3A_153 : memref<1x4x128xi32, #tpu.memory_space<hbm>> -> memref<4x128xi32, #tpu.memory_space<hbm>>
    %dma_wait3A_155 = tpu.memref_slice %arg13[%dma_wait3A_146] : memref<3x!tpu.dma_semaphore, #tpu.memory_space<semaphore_mem>> -> memref<1x!tpu.dma_semaphore, #tpu.memory_space<semaphore_mem>>
    %dma_wait3A_156 = tpu.memref_squeeze %dma_wait3A_155 : memref<1x!tpu.dma_semaphore, #tpu.memory_space<semaphore_mem>> -> memref<!tpu.dma_semaphore, #tpu.memory_space<semaphore_mem>>
    %dma_wait3A_157 = arith.constant 0 : i32
    %dma_wait3A_158 = arith.constant 0 : i32
    %dma_wait3A_159 = tpu.memref_slice %arg11[%dma_wait3A_145, %dma_wait3A_157, %dma_wait3A_158] : memref<3x4x128xi32, #tpu.memory_space<vmem>> -> memref<1x4x128xi32, #tpu.memory_space<vmem>>
    %dma_wait3A_160 = tpu.memref_squeeze %dma_wait3A_159 : memref<1x4x128xi32, #tpu.memory_space<vmem>> -> memref<4x128xi32, #tpu.memory_space<vmem>>
    %dma_wait3A_161 = arith.constant 0 : i32
    %dma_wait3A_162 = arith.constant 0 : i32
    %dma_wait3A_163 = tpu.memref_slice %arg3[%add3A, %dma_wait3A_161, %dma_wait3A_162] : memref<32x4x128xi32, #tpu.memory_space<hbm>> -> memref<1x4x128xi32, #tpu.memory_space<hbm>>
    %dma_wait3A_164 = tpu.memref_squeeze %dma_wait3A_163 : memref<1x4x128xi32, #tpu.memory_space<hbm>> -> memref<4x128xi32, #tpu.memory_space<hbm>>
    tpu.wait_dma2 semaphore(%dma_wait3A_156 : memref<!tpu.dma_semaphore, #tpu.memory_space<semaphore_mem>>) src(%dma_wait3A_164 : memref<4x128xi32, #tpu.memory_space<hbm>>) dst(%dma_wait3A_160 : memref<4x128xi32, #tpu.memory_space<vmem>>)
    %dma_start3A_165 = arith.constant 1 : i32
    %dma_start3A_166 = arith.constant 0 : i32
    %dma_start3A_167 = arith.constant 4 : i32
    %dma_start3A_168 = arith.constant 4 : i32
    %dma_start3A_169 = arith.constant 0 : i32
    %dma_start3A_170 = arith.constant 0 : i32
    %dma_start3A_171 = tpu.memref_slice %arg12[%dma_start3A_167, %dma_start3A_169, %dma_start3A_170] : memref<7x128x128xf32, #tpu.memory_space<vmem>> -> memref<1x128x128xf32, #tpu.memory_space<vmem>>
    %dma_start3A_172 = tpu.memref_squeeze %dma_start3A_171 : memref<1x128x128xf32, #tpu.memory_space<vmem>> -> memref<128x128xf32, #tpu.memory_space<vmem>>
    %dma_start3A_173 = arith.constant 0 : i32
    %dma_start3A_174 = tpu.memref_slice %arg11[%dma_start3A_165, %dma_start3A_166, %dma_start3A_173] : memref<3x4x128xi32, #tpu.memory_space<vmem>> -> memref<1x1x128xi32, #tpu.memory_space<vmem>>
    %dma_start3A_175 = tpu.memref_squeeze %dma_start3A_174 : memref<1x1x128xi32, #tpu.memory_space<vmem>> -> memref<128xi32, #tpu.memory_space<vmem>>
    %dma_start3A_176 = arith.constant 0 : i32
    %dma_start3A_177 = arith.constant 0 : i32
    %dma_start3A_178 = tpu.memref_slice %arg6[%dma_start3A_176, %dma_start3A_177] : memref<100000x128xf32, #tpu.memory_space<hbm>> -> memref<100000x128xf32, #tpu.memory_space<hbm>>
    %dma_start3A_179 = tpu.memref_slice %arg14[%dma_start3A_168] : memref<7x!tpu.dma_semaphore, #tpu.memory_space<semaphore_mem>> -> memref<1x!tpu.dma_semaphore, #tpu.memory_space<semaphore_mem>>
    %dma_start3A_180 = tpu.memref_squeeze %dma_start3A_179 : memref<1x!tpu.dma_semaphore, #tpu.memory_space<semaphore_mem>> -> memref<!tpu.dma_semaphore, #tpu.memory_space<semaphore_mem>>
    tpu.enqueue_indirect_dma source(%dma_start3A_178 : memref<100000x128xf32, #tpu.memory_space<hbm>>) target(%dma_start3A_172 : memref<128x128xf32, #tpu.memory_space<vmem>>) offsets(%dma_start3A_175 : memref<128xi32, #tpu.memory_space<vmem>>) semaphore(%dma_start3A_180 : memref<!tpu.dma_semaphore, #tpu.memory_space<semaphore_mem>>)
    %dma_start3A_181 = arith.constant 1 : i32
    %dma_start3A_182 = arith.constant 1 : i32
    %dma_start3A_183 = arith.constant 5 : i32
    %dma_start3A_184 = arith.constant 5 : i32
    %dma_start3A_185 = arith.constant 0 : i32
    %dma_start3A_186 = arith.constant 0 : i32
    %dma_start3A_187 = tpu.memref_slice %arg12[%dma_start3A_183, %dma_start3A_185, %dma_start3A_186] : memref<7x128x128xf32, #tpu.memory_space<vmem>> -> memref<1x128x128xf32, #tpu.memory_space<vmem>>
    %dma_start3A_188 = tpu.memref_squeeze %dma_start3A_187 : memref<1x128x128xf32, #tpu.memory_space<vmem>> -> memref<128x128xf32, #tpu.memory_space<vmem>>
    %dma_start3A_189 = arith.constant 0 : i32
    %dma_start3A_190 = tpu.memref_slice %arg11[%dma_start3A_181, %dma_start3A_182, %dma_start3A_189] : memref<3x4x128xi32, #tpu.memory_space<vmem>> -> memref<1x1x128xi32, #tpu.memory_space<vmem>>
    %dma_start3A_191 = tpu.memref_squeeze %dma_start3A_190 : memref<1x1x128xi32, #tpu.memory_space<vmem>> -> memref<128xi32, #tpu.memory_space<vmem>>
    %dma_start3A_192 = arith.constant 0 : i32
    %dma_start3A_193 = arith.constant 0 : i32
    %dma_start3A_194 = tpu.memref_slice %arg6[%dma_start3A_192, %dma_start3A_193] : memref<100000x128xf32, #tpu.memory_space<hbm>> -> memref<100000x128xf32, #tpu.memory_space<hbm>>
    %dma_start3A_195 = tpu.memref_slice %arg14[%dma_start3A_184] : memref<7x!tpu.dma_semaphore, #tpu.memory_space<semaphore_mem>> -> memref<1x!tpu.dma_semaphore, #tpu.memory_space<semaphore_mem>>
    %dma_start3A_196 = tpu.memref_squeeze %dma_start3A_195 : memref<1x!tpu.dma_semaphore, #tpu.memory_space<semaphore_mem>> -> memref<!tpu.dma_semaphore, #tpu.memory_space<semaphore_mem>>
    tpu.enqueue_indirect_dma source(%dma_start3A_194 : memref<100000x128xf32, #tpu.memory_space<hbm>>) target(%dma_start3A_188 : memref<128x128xf32, #tpu.memory_space<vmem>>) offsets(%dma_start3A_191 : memref<128xi32, #tpu.memory_space<vmem>>) semaphore(%dma_start3A_196 : memref<!tpu.dma_semaphore, #tpu.memory_space<semaphore_mem>>)
    %dma_wait3A_197 = arith.constant 0 : i32
    %dma_wait3A_198 = arith.constant 0 : i32
    %dma_wait3A_199 = arith.constant 0 : i32
    %dma_wait3A_200 = arith.constant 0 : i32
    %dma_wait3A_201 = arith.constant 0 : i32
    %dma_wait3A_202 = arith.constant 0 : i32
    %dma_wait3A_203 = tpu.memref_slice %arg12[%dma_wait3A_199, %dma_wait3A_201, %dma_wait3A_202] : memref<7x128x128xf32, #tpu.memory_space<vmem>> -> memref<1x128x128xf32, #tpu.memory_space<vmem>>
    %dma_wait3A_204 = tpu.memref_squeeze %dma_wait3A_203 : memref<1x128x128xf32, #tpu.memory_space<vmem>> -> memref<128x128xf32, #tpu.memory_space<vmem>>
    %dma_wait3A_205 = arith.constant 0 : i32
    %dma_wait3A_206 = tpu.memref_slice %arg11[%dma_wait3A_197, %dma_wait3A_198, %dma_wait3A_205] : memref<3x4x128xi32, #tpu.memory_space<vmem>> -> memref<1x1x128xi32, #tpu.memory_space<vmem>>
    %dma_wait3A_207 = tpu.memref_squeeze %dma_wait3A_206 : memref<1x1x128xi32, #tpu.memory_space<vmem>> -> memref<128xi32, #tpu.memory_space<vmem>>
    %dma_wait3A_208 = arith.constant 0 : i32
    %dma_wait3A_209 = arith.constant 0 : i32
    %dma_wait3A_210 = tpu.memref_slice %arg5[%dma_wait3A_208, %dma_wait3A_209] : memref<100000x128xf32, #tpu.memory_space<hbm>> -> memref<100000x128xf32, #tpu.memory_space<hbm>>
    %dma_wait3A_211 = tpu.memref_slice %arg14[%dma_wait3A_200] : memref<7x!tpu.dma_semaphore, #tpu.memory_space<semaphore_mem>> -> memref<1x!tpu.dma_semaphore, #tpu.memory_space<semaphore_mem>>
    %dma_wait3A_212 = tpu.memref_squeeze %dma_wait3A_211 : memref<1x!tpu.dma_semaphore, #tpu.memory_space<semaphore_mem>> -> memref<!tpu.dma_semaphore, #tpu.memory_space<semaphore_mem>>
    tpu.wait_indirect_dma semaphore(%dma_wait3A_212 : memref<!tpu.dma_semaphore, #tpu.memory_space<semaphore_mem>>) src(%dma_wait3A_210 : memref<100000x128xf32, #tpu.memory_space<hbm>>) dst(%dma_wait3A_204 : memref<128x128xf32, #tpu.memory_space<vmem>>)
    %add3A_213 = arith.constant 0 : i32
    %add3A_214 = arith.addi %mul3A_2, %add3A_213 : i32
    %dma_start3A_215 = arith.constant 0 : i32
    %dma_start3A_216 = arith.constant 0 : i32
    %dma_start3A_217 = arith.constant 0 : i32
    %dma_start3A_218 = arith.constant 0 : i32
    %dma_start3A_219 = tpu.memref_slice %arg12[%dma_start3A_215, %dma_start3A_217, %dma_start3A_218] : memref<7x128x128xf32, #tpu.memory_space<vmem>> -> memref<1x128x128xf32, #tpu.memory_space<vmem>>
    %dma_start3A_220 = tpu.memref_squeeze %dma_start3A_219 : memref<1x128x128xf32, #tpu.memory_space<vmem>> -> memref<128x128xf32, #tpu.memory_space<vmem>>
    %dma_start3A_221 = arith.constant 0 : i32
    %dma_start3A_222 = tpu.memref_slice %arg8[%add3A_214, %dma_start3A_221] : memref<16384x128xf32, #tpu.memory_space<hbm>> -> memref<128x128xf32, #tpu.memory_space<hbm>>
    %dma_start3A_223 = tpu.memref_slice %arg15[%dma_start3A_216] : memref<7x!tpu.dma_semaphore, #tpu.memory_space<semaphore_mem>> -> memref<1x!tpu.dma_semaphore, #tpu.memory_space<semaphore_mem>>
    %dma_start3A_224 = tpu.memref_squeeze %dma_start3A_223 : memref<1x!tpu.dma_semaphore, #tpu.memory_space<semaphore_mem>> -> memref<!tpu.dma_semaphore, #tpu.memory_space<semaphore_mem>>
    %dma_start3A_225 = arith.constant 0 : i32
    %dma_start3A_226 = tpu.memref_slice %arg8[%add3A_214, %dma_start3A_225] : memref<16384x128xf32, #tpu.memory_space<hbm>> -> memref<128x128xf32, #tpu.memory_space<hbm>>
    %dma_start3A_227 = arith.constant 0 : i32
    %dma_start3A_228 = arith.constant 0 : i32
    %dma_start3A_229 = tpu.memref_slice %arg12[%dma_start3A_215, %dma_start3A_227, %dma_start3A_228] : memref<7x128x128xf32, #tpu.memory_space<vmem>> -> memref<1x128x128xf32, #tpu.memory_space<vmem>>
    %dma_start3A_230 = tpu.memref_squeeze %dma_start3A_229 : memref<1x128x128xf32, #tpu.memory_space<vmem>> -> memref<128x128xf32, #tpu.memory_space<vmem>>
    tpu.enqueue_dma source(%dma_start3A_230 : memref<128x128xf32, #tpu.memory_space<vmem>>) target(%dma_start3A_226 : memref<128x128xf32, #tpu.memory_space<hbm>>) target_semaphore(%dma_start3A_224 : memref<!tpu.dma_semaphore, #tpu.memory_space<semaphore_mem>>)
    %dma_start3A_231 = arith.constant 1 : i32
    %dma_start3A_232 = arith.constant 2 : i32
    %dma_start3A_233 = arith.constant 6 : i32
    %dma_start3A_234 = arith.constant 6 : i32
    %dma_start3A_235 = arith.constant 0 : i32
    %dma_start3A_236 = arith.constant 0 : i32
    %dma_start3A_237 = tpu.memref_slice %arg12[%dma_start3A_233, %dma_start3A_235, %dma_start3A_236] : memref<7x128x128xf32, #tpu.memory_space<vmem>> -> memref<1x128x128xf32, #tpu.memory_space<vmem>>
    %dma_start3A_238 = tpu.memref_squeeze %dma_start3A_237 : memref<1x128x128xf32, #tpu.memory_space<vmem>> -> memref<128x128xf32, #tpu.memory_space<vmem>>
    %dma_start3A_239 = arith.constant 0 : i32
    %dma_start3A_240 = tpu.memref_slice %arg11[%dma_start3A_231, %dma_start3A_232, %dma_start3A_239] : memref<3x4x128xi32, #tpu.memory_space<vmem>> -> memref<1x1x128xi32, #tpu.memory_space<vmem>>
    %dma_start3A_241 = tpu.memref_squeeze %dma_start3A_240 : memref<1x1x128xi32, #tpu.memory_space<vmem>> -> memref<128xi32, #tpu.memory_space<vmem>>
    %dma_start3A_242 = arith.constant 0 : i32
    %dma_start3A_243 = arith.constant 0 : i32
    %dma_start3A_244 = tpu.memref_slice %arg6[%dma_start3A_242, %dma_start3A_243] : memref<100000x128xf32, #tpu.memory_space<hbm>> -> memref<100000x128xf32, #tpu.memory_space<hbm>>
    %dma_start3A_245 = tpu.memref_slice %arg14[%dma_start3A_234] : memref<7x!tpu.dma_semaphore, #tpu.memory_space<semaphore_mem>> -> memref<1x!tpu.dma_semaphore, #tpu.memory_space<semaphore_mem>>
    %dma_start3A_246 = tpu.memref_squeeze %dma_start3A_245 : memref<1x!tpu.dma_semaphore, #tpu.memory_space<semaphore_mem>> -> memref<!tpu.dma_semaphore, #tpu.memory_space<semaphore_mem>>
    tpu.enqueue_indirect_dma source(%dma_start3A_244 : memref<100000x128xf32, #tpu.memory_space<hbm>>) target(%dma_start3A_238 : memref<128x128xf32, #tpu.memory_space<vmem>>) offsets(%dma_start3A_241 : memref<128xi32, #tpu.memory_space<vmem>>) semaphore(%dma_start3A_246 : memref<!tpu.dma_semaphore, #tpu.memory_space<semaphore_mem>>)
    %dma_wait3A_247 = arith.constant 0 : i32
    %dma_wait3A_248 = arith.constant 1 : i32
    %dma_wait3A_249 = arith.constant 1 : i32
    %dma_wait3A_250 = arith.constant 1 : i32
    %dma_wait3A_251 = arith.constant 0 : i32
    %dma_wait3A_252 = arith.constant 0 : i32
    %dma_wait3A_253 = tpu.memref_slice %arg12[%dma_wait3A_249, %dma_wait3A_251, %dma_wait3A_252] : memref<7x128x128xf32, #tpu.memory_space<vmem>> -> memref<1x128x128xf32, #tpu.memory_space<vmem>>
    %dma_wait3A_254 = tpu.memref_squeeze %dma_wait3A_253 : memref<1x128x128xf32, #tpu.memory_space<vmem>> -> memref<128x128xf32, #tpu.memory_space<vmem>>
    %dma_wait3A_255 = arith.constant 0 : i32
    %dma_wait3A_256 = tpu.memref_slice %arg11[%dma_wait3A_247, %dma_wait3A_248, %dma_wait3A_255] : memref<3x4x128xi32, #tpu.memory_space<vmem>> -> memref<1x1x128xi32, #tpu.memory_space<vmem>>
    %dma_wait3A_257 = tpu.memref_squeeze %dma_wait3A_256 : memref<1x1x128xi32, #tpu.memory_space<vmem>> -> memref<128xi32, #tpu.memory_space<vmem>>
    %dma_wait3A_258 = arith.constant 0 : i32
    %dma_wait3A_259 = arith.constant 0 : i32
    %dma_wait3A_260 = tpu.memref_slice %arg5[%dma_wait3A_258, %dma_wait3A_259] : memref<100000x128xf32, #tpu.memory_space<hbm>> -> memref<100000x128xf32, #tpu.memory_space<hbm>>
    %dma_wait3A_261 = tpu.memref_slice %arg14[%dma_wait3A_250] : memref<7x!tpu.dma_semaphore, #tpu.memory_space<semaphore_mem>> -> memref<1x!tpu.dma_semaphore, #tpu.memory_space<semaphore_mem>>
    %dma_wait3A_262 = tpu.memref_squeeze %dma_wait3A_261 : memref<1x!tpu.dma_semaphore, #tpu.memory_space<semaphore_mem>> -> memref<!tpu.dma_semaphore, #tpu.memory_space<semaphore_mem>>
    tpu.wait_indirect_dma semaphore(%dma_wait3A_262 : memref<!tpu.dma_semaphore, #tpu.memory_space<semaphore_mem>>) src(%dma_wait3A_260 : memref<100000x128xf32, #tpu.memory_space<hbm>>) dst(%dma_wait3A_254 : memref<128x128xf32, #tpu.memory_space<vmem>>)
    %add3A_263 = arith.constant 128 : i32
    %add3A_264 = arith.addi %mul3A_2, %add3A_263 : i32
    %dma_start3A_265 = arith.constant 1 : i32
    %dma_start3A_266 = arith.constant 1 : i32
    %dma_start3A_267 = arith.constant 0 : i32
    %dma_start3A_268 = arith.constant 0 : i32
    %dma_start3A_269 = tpu.memref_slice %arg12[%dma_start3A_265, %dma_start3A_267, %dma_start3A_268] : memref<7x128x128xf32, #tpu.memory_space<vmem>> -> memref<1x128x128xf32, #tpu.memory_space<vmem>>
    %dma_start3A_270 = tpu.memref_squeeze %dma_start3A_269 : memref<1x128x128xf32, #tpu.memory_space<vmem>> -> memref<128x128xf32, #tpu.memory_space<vmem>>
    %dma_start3A_271 = arith.constant 0 : i32
    %dma_start3A_272 = tpu.memref_slice %arg8[%add3A_264, %dma_start3A_271] : memref<16384x128xf32, #tpu.memory_space<hbm>> -> memref<128x128xf32, #tpu.memory_space<hbm>>
    %dma_start3A_273 = tpu.memref_slice %arg15[%dma_start3A_266] : memref<7x!tpu.dma_semaphore, #tpu.memory_space<semaphore_mem>> -> memref<1x!tpu.dma_semaphore, #tpu.memory_space<semaphore_mem>>
    %dma_start3A_274 = tpu.memref_squeeze %dma_start3A_273 : memref<1x!tpu.dma_semaphore, #tpu.memory_space<semaphore_mem>> -> memref<!tpu.dma_semaphore, #tpu.memory_space<semaphore_mem>>
    %dma_start3A_275 = arith.constant 0 : i32
    %dma_start3A_276 = tpu.memref_slice %arg8[%add3A_264, %dma_start3A_275] : memref<16384x128xf32, #tpu.memory_space<hbm>> -> memref<128x128xf32, #tpu.memory_space<hbm>>
    %dma_start3A_277 = arith.constant 0 : i32
    %dma_start3A_278 = arith.constant 0 : i32
    %dma_start3A_279 = tpu.memref_slice %arg12[%dma_start3A_265, %dma_start3A_277, %dma_start3A_278] : memref<7x128x128xf32, #tpu.memory_space<vmem>> -> memref<1x128x128xf32, #tpu.memory_space<vmem>>
    %dma_start3A_280 = tpu.memref_squeeze %dma_start3A_279 : memref<1x128x128xf32, #tpu.memory_space<vmem>> -> memref<128x128xf32, #tpu.memory_space<vmem>>
    tpu.enqueue_dma source(%dma_start3A_280 : memref<128x128xf32, #tpu.memory_space<vmem>>) target(%dma_start3A_276 : memref<128x128xf32, #tpu.memory_space<hbm>>) target_semaphore(%dma_start3A_274 : memref<!tpu.dma_semaphore, #tpu.memory_space<semaphore_mem>>)
    %dma_wait3A_281 = arith.constant 0 : i32
    %dma_wait3A_282 = arith.constant 0 : i32
    %dma_wait3A_283 = arith.constant 0 : i32
    %dma_wait3A_284 = arith.constant 0 : i32
    %dma_wait3A_285 = tpu.memref_slice %arg12[%dma_wait3A_281, %dma_wait3A_283, %dma_wait3A_284] : memref<7x128x128xf32, #tpu.memory_space<vmem>> -> memref<1x128x128xf32, #tpu.memory_space<vmem>>
    %dma_wait3A_286 = tpu.memref_squeeze %dma_wait3A_285 : memref<1x128x128xf32, #tpu.memory_space<vmem>> -> memref<128x128xf32, #tpu.memory_space<vmem>>
    %dma_wait3A_287 = arith.constant 0 : i32
    %dma_wait3A_288 = tpu.memref_slice %arg8[%add3A_214, %dma_wait3A_287] : memref<16384x128xf32, #tpu.memory_space<hbm>> -> memref<128x128xf32, #tpu.memory_space<hbm>>
    %dma_wait3A_289 = tpu.memref_slice %arg15[%dma_wait3A_282] : memref<7x!tpu.dma_semaphore, #tpu.memory_space<semaphore_mem>> -> memref<1x!tpu.dma_semaphore, #tpu.memory_space<semaphore_mem>>
    %dma_wait3A_290 = tpu.memref_squeeze %dma_wait3A_289 : memref<1x!tpu.dma_semaphore, #tpu.memory_space<semaphore_mem>> -> memref<!tpu.dma_semaphore, #tpu.memory_space<semaphore_mem>>
    %dma_wait3A_291 = arith.constant 0 : i32
    %dma_wait3A_292 = tpu.memref_slice %arg8[%add3A_214, %dma_wait3A_291] : memref<16384x128xf32, #tpu.memory_space<hbm>> -> memref<128x128xf32, #tpu.memory_space<hbm>>
    %dma_wait3A_293 = arith.constant 0 : i32
    %dma_wait3A_294 = arith.constant 0 : i32
    %dma_wait3A_295 = tpu.memref_slice %arg12[%dma_wait3A_281, %dma_wait3A_293, %dma_wait3A_294] : memref<7x128x128xf32, #tpu.memory_space<vmem>> -> memref<1x128x128xf32, #tpu.memory_space<vmem>>
    %dma_wait3A_296 = tpu.memref_squeeze %dma_wait3A_295 : memref<1x128x128xf32, #tpu.memory_space<vmem>> -> memref<128x128xf32, #tpu.memory_space<vmem>>
    tpu.wait_dma2 semaphore(%dma_wait3A_290 : memref<!tpu.dma_semaphore, #tpu.memory_space<semaphore_mem>>) src(%dma_wait3A_296 : memref<128x128xf32, #tpu.memory_space<vmem>>) dst(%dma_wait3A_292 : memref<128x128xf32, #tpu.memory_space<hbm>>)
    %dma_start3A_297 = arith.constant 1 : i32
    %dma_start3A_298 = arith.constant 3 : i32
    %dma_start3A_299 = arith.constant 0 : i32
    %dma_start3A_300 = arith.constant 0 : i32
    %dma_start3A_301 = arith.constant 0 : i32
    %dma_start3A_302 = arith.constant 0 : i32
    %dma_start3A_303 = tpu.memref_slice %arg12[%dma_start3A_299, %dma_start3A_301, %dma_start3A_302] : memref<7x128x128xf32, #tpu.memory_space<vmem>> -> memref<1x128x128xf32, #tpu.memory_space<vmem>>
    %dma_start3A_304 = tpu.memref_squeeze %dma_start3A_303 : memref<1x128x128xf32, #tpu.memory_space<vmem>> -> memref<128x128xf32, #tpu.memory_space<vmem>>
    %dma_start3A_305 = arith.constant 0 : i32
    %dma_start3A_306 = tpu.memref_slice %arg11[%dma_start3A_297, %dma_start3A_298, %dma_start3A_305] : memref<3x4x128xi32, #tpu.memory_space<vmem>> -> memref<1x1x128xi32, #tpu.memory_space<vmem>>
    %dma_start3A_307 = tpu.memref_squeeze %dma_start3A_306 : memref<1x1x128xi32, #tpu.memory_space<vmem>> -> memref<128xi32, #tpu.memory_space<vmem>>
    %dma_start3A_308 = arith.constant 0 : i32
    %dma_start3A_309 = arith.constant 0 : i32
    %dma_start3A_310 = tpu.memref_slice %arg6[%dma_start3A_308, %dma_start3A_309] : memref<100000x128xf32, #tpu.memory_space<hbm>> -> memref<100000x128xf32, #tpu.memory_space<hbm>>
    %dma_start3A_311 = tpu.memref_slice %arg14[%dma_start3A_300] : memref<7x!tpu.dma_semaphore, #tpu.memory_space<semaphore_mem>> -> memref<1x!tpu.dma_semaphore, #tpu.memory_space<semaphore_mem>>
    %dma_start3A_312 = tpu.memref_squeeze %dma_start3A_311 : memref<1x!tpu.dma_semaphore, #tpu.memory_space<semaphore_mem>> -> memref<!tpu.dma_semaphore, #tpu.memory_space<semaphore_mem>>
    tpu.enqueue_indirect_dma source(%dma_start3A_310 : memref<100000x128xf32, #tpu.memory_space<hbm>>) target(%dma_start3A_304 : memref<128x128xf32, #tpu.memory_space<vmem>>) offsets(%dma_start3A_307 : memref<128xi32, #tpu.memory_space<vmem>>) semaphore(%dma_start3A_312 : memref<!tpu.dma_semaphore, #tpu.memory_space<semaphore_mem>>)
    %dma_wait3A_313 = arith.constant 0 : i32
    %dma_wait3A_314 = arith.constant 2 : i32
    %dma_wait3A_315 = arith.constant 2 : i32
    %dma_wait3A_316 = arith.constant 2 : i32
    %dma_wait3A_317 = arith.constant 0 : i32
    %dma_wait3A_318 = arith.constant 0 : i32
    %dma_wait3A_319 = tpu.memref_slice %arg12[%dma_wait3A_315, %dma_wait3A_317, %dma_wait3A_318] : memref<7x128x128xf32, #tpu.memory_space<vmem>> -> memref<1x128x128xf32, #tpu.memory_space<vmem>>
    %dma_wait3A_320 = tpu.memref_squeeze %dma_wait3A_319 : memref<1x128x128xf32, #tpu.memory_space<vmem>> -> memref<128x128xf32, #tpu.memory_space<vmem>>
    %dma_wait3A_321 = arith.constant 0 : i32
    %dma_wait3A_322 = tpu.memref_slice %arg11[%dma_wait3A_313, %dma_wait3A_314, %dma_wait3A_321] : memref<3x4x128xi32, #tpu.memory_space<vmem>> -> memref<1x1x128xi32, #tpu.memory_space<vmem>>
    %dma_wait3A_323 = tpu.memref_squeeze %dma_wait3A_322 : memref<1x1x128xi32, #tpu.memory_space<vmem>> -> memref<128xi32, #tpu.memory_space<vmem>>
    %dma_wait3A_324 = arith.constant 0 : i32
    %dma_wait3A_325 = arith.constant 0 : i32
    %dma_wait3A_326 = tpu.memref_slice %arg5[%dma_wait3A_324, %dma_wait3A_325] : memref<100000x128xf32, #tpu.memory_space<hbm>> -> memref<100000x128xf32, #tpu.memory_space<hbm>>
    %dma_wait3A_327 = tpu.memref_slice %arg14[%dma_wait3A_316] : memref<7x!tpu.dma_semaphore, #tpu.memory_space<semaphore_mem>> -> memref<1x!tpu.dma_semaphore, #tpu.memory_space<semaphore_mem>>
    %dma_wait3A_328 = tpu.memref_squeeze %dma_wait3A_327 : memref<1x!tpu.dma_semaphore, #tpu.memory_space<semaphore_mem>> -> memref<!tpu.dma_semaphore, #tpu.memory_space<semaphore_mem>>
    tpu.wait_indirect_dma semaphore(%dma_wait3A_328 : memref<!tpu.dma_semaphore, #tpu.memory_space<semaphore_mem>>) src(%dma_wait3A_326 : memref<100000x128xf32, #tpu.memory_space<hbm>>) dst(%dma_wait3A_320 : memref<128x128xf32, #tpu.memory_space<vmem>>)
    %add3A_329 = arith.constant 256 : i32
    %add3A_330 = arith.addi %mul3A_2, %add3A_329 : i32
    %dma_start3A_331 = arith.constant 2 : i32
    %dma_start3A_332 = arith.constant 2 : i32
    %dma_start3A_333 = arith.constant 0 : i32
    %dma_start3A_334 = arith.constant 0 : i32
    %dma_start3A_335 = tpu.memref_slice %arg12[%dma_start3A_331, %dma_start3A_333, %dma_start3A_334] : memref<7x128x128xf32, #tpu.memory_space<vmem>> -> memref<1x128x128xf32, #tpu.memory_space<vmem>>
    %dma_start3A_336 = tpu.memref_squeeze %dma_start3A_335 : memref<1x128x128xf32, #tpu.memory_space<vmem>> -> memref<128x128xf32, #tpu.memory_space<vmem>>
    %dma_start3A_337 = arith.constant 0 : i32
    %dma_start3A_338 = tpu.memref_slice %arg8[%add3A_330, %dma_start3A_337] : memref<16384x128xf32, #tpu.memory_space<hbm>> -> memref<128x128xf32, #tpu.memory_space<hbm>>
    %dma_start3A_339 = tpu.memref_slice %arg15[%dma_start3A_332] : memref<7x!tpu.dma_semaphore, #tpu.memory_space<semaphore_mem>> -> memref<1x!tpu.dma_semaphore, #tpu.memory_space<semaphore_mem>>
    %dma_start3A_340 = tpu.memref_squeeze %dma_start3A_339 : memref<1x!tpu.dma_semaphore, #tpu.memory_space<semaphore_mem>> -> memref<!tpu.dma_semaphore, #tpu.memory_space<semaphore_mem>>
    %dma_start3A_341 = arith.constant 0 : i32
    %dma_start3A_342 = tpu.memref_slice %arg8[%add3A_330, %dma_start3A_341] : memref<16384x128xf32, #tpu.memory_space<hbm>> -> memref<128x128xf32, #tpu.memory_space<hbm>>
    %dma_start3A_343 = arith.constant 0 : i32
    %dma_start3A_344 = arith.constant 0 : i32
    %dma_start3A_345 = tpu.memref_slice %arg12[%dma_start3A_331, %dma_start3A_343, %dma_start3A_344] : memref<7x128x128xf32, #tpu.memory_space<vmem>> -> memref<1x128x128xf32, #tpu.memory_space<vmem>>
    %dma_start3A_346 = tpu.memref_squeeze %dma_start3A_345 : memref<1x128x128xf32, #tpu.memory_space<vmem>> -> memref<128x128xf32, #tpu.memory_space<vmem>>
    tpu.enqueue_dma source(%dma_start3A_346 : memref<128x128xf32, #tpu.memory_space<vmem>>) target(%dma_start3A_342 : memref<128x128xf32, #tpu.memory_space<hbm>>) target_semaphore(%dma_start3A_340 : memref<!tpu.dma_semaphore, #tpu.memory_space<semaphore_mem>>)
    %dma_wait3A_347 = arith.constant 1 : i32
    %dma_wait3A_348 = arith.constant 1 : i32
    %dma_wait3A_349 = arith.constant 0 : i32
    %dma_wait3A_350 = arith.constant 0 : i32
    %dma_wait3A_351 = tpu.memref_slice %arg12[%dma_wait3A_347, %dma_wait3A_349, %dma_wait3A_350] : memref<7x128x128xf32, #tpu.memory_space<vmem>> -> memref<1x128x128xf32, #tpu.memory_space<vmem>>
    %dma_wait3A_352 = tpu.memref_squeeze %dma_wait3A_351 : memref<1x128x128xf32, #tpu.memory_space<vmem>> -> memref<128x128xf32, #tpu.memory_space<vmem>>
    %dma_wait3A_353 = arith.constant 0 : i32
    %dma_wait3A_354 = tpu.memref_slice %arg8[%add3A_264, %dma_wait3A_353] : memref<16384x128xf32, #tpu.memory_space<hbm>> -> memref<128x128xf32, #tpu.memory_space<hbm>>
    %dma_wait3A_355 = tpu.memref_slice %arg15[%dma_wait3A_348] : memref<7x!tpu.dma_semaphore, #tpu.memory_space<semaphore_mem>> -> memref<1x!tpu.dma_semaphore, #tpu.memory_space<semaphore_mem>>
    %dma_wait3A_356 = tpu.memref_squeeze %dma_wait3A_355 : memref<1x!tpu.dma_semaphore, #tpu.memory_space<semaphore_mem>> -> memref<!tpu.dma_semaphore, #tpu.memory_space<semaphore_mem>>
    %dma_wait3A_357 = arith.constant 0 : i32
    %dma_wait3A_358 = tpu.memref_slice %arg8[%add3A_264, %dma_wait3A_357] : memref<16384x128xf32, #tpu.memory_space<hbm>> -> memref<128x128xf32, #tpu.memory_space<hbm>>
    %dma_wait3A_359 = arith.constant 0 : i32
    %dma_wait3A_360 = arith.constant 0 : i32
    %dma_wait3A_361 = tpu.memref_slice %arg12[%dma_wait3A_347, %dma_wait3A_359, %dma_wait3A_360] : memref<7x128x128xf32, #tpu.memory_space<vmem>> -> memref<1x128x128xf32, #tpu.memory_space<vmem>>
    %dma_wait3A_362 = tpu.memref_squeeze %dma_wait3A_361 : memref<1x128x128xf32, #tpu.memory_space<vmem>> -> memref<128x128xf32, #tpu.memory_space<vmem>>
    tpu.wait_dma2 semaphore(%dma_wait3A_356 : memref<!tpu.dma_semaphore, #tpu.memory_space<semaphore_mem>>) src(%dma_wait3A_362 : memref<128x128xf32, #tpu.memory_space<vmem>>) dst(%dma_wait3A_358 : memref<128x128xf32, #tpu.memory_space<hbm>>)
    %dma_wait3A_363 = arith.constant 2 : i32
    %dma_wait3A_364 = arith.constant 2 : i32
    %dma_wait3A_365 = arith.constant 0 : i32
    %dma_wait3A_366 = arith.constant 0 : i32
    %dma_wait3A_367 = tpu.memref_slice %arg11[%dma_wait3A_363, %dma_wait3A_365, %dma_wait3A_366] : memref<3x4x128xi32, #tpu.memory_space<vmem>> -> memref<1x4x128xi32, #tpu.memory_space<vmem>>
    %dma_wait3A_368 = tpu.memref_squeeze %dma_wait3A_367 : memref<1x4x128xi32, #tpu.memory_space<vmem>> -> memref<4x128xi32, #tpu.memory_space<vmem>>
    %dma_wait3A_369 = arith.constant 0 : i32
    %dma_wait3A_370 = arith.constant 0 : i32
    %dma_wait3A_371 = tpu.memref_slice %arg4[%add3A, %dma_wait3A_369, %dma_wait3A_370] : memref<32x4x128xi32, #tpu.memory_space<hbm>> -> memref<1x4x128xi32, #tpu.memory_space<hbm>>
    %dma_wait3A_372 = tpu.memref_squeeze %dma_wait3A_371 : memref<1x4x128xi32, #tpu.memory_space<hbm>> -> memref<4x128xi32, #tpu.memory_space<hbm>>
    %dma_wait3A_373 = tpu.memref_slice %arg13[%dma_wait3A_364] : memref<3x!tpu.dma_semaphore, #tpu.memory_space<semaphore_mem>> -> memref<1x!tpu.dma_semaphore, #tpu.memory_space<semaphore_mem>>
    %dma_wait3A_374 = tpu.memref_squeeze %dma_wait3A_373 : memref<1x!tpu.dma_semaphore, #tpu.memory_space<semaphore_mem>> -> memref<!tpu.dma_semaphore, #tpu.memory_space<semaphore_mem>>
    %dma_wait3A_375 = arith.constant 0 : i32
    %dma_wait3A_376 = arith.constant 0 : i32
    %dma_wait3A_377 = tpu.memref_slice %arg11[%dma_wait3A_363, %dma_wait3A_375, %dma_wait3A_376] : memref<3x4x128xi32, #tpu.memory_space<vmem>> -> memref<1x4x128xi32, #tpu.memory_space<vmem>>
    %dma_wait3A_378 = tpu.memref_squeeze %dma_wait3A_377 : memref<1x4x128xi32, #tpu.memory_space<vmem>> -> memref<4x128xi32, #tpu.memory_space<vmem>>
    %dma_wait3A_379 = arith.constant 0 : i32
    %dma_wait3A_380 = arith.constant 0 : i32
    %dma_wait3A_381 = tpu.memref_slice %arg4[%add3A, %dma_wait3A_379, %dma_wait3A_380] : memref<32x4x128xi32, #tpu.memory_space<hbm>> -> memref<1x4x128xi32, #tpu.memory_space<hbm>>
    %dma_wait3A_382 = tpu.memref_squeeze %dma_wait3A_381 : memref<1x4x128xi32, #tpu.memory_space<hbm>> -> memref<4x128xi32, #tpu.memory_space<hbm>>
    tpu.wait_dma2 semaphore(%dma_wait3A_374 : memref<!tpu.dma_semaphore, #tpu.memory_space<semaphore_mem>>) src(%dma_wait3A_382 : memref<4x128xi32, #tpu.memory_space<hbm>>) dst(%dma_wait3A_378 : memref<4x128xi32, #tpu.memory_space<vmem>>)
    %dma_start3A_383 = arith.constant 2 : i32
    %dma_start3A_384 = arith.constant 0 : i32
    %dma_start3A_385 = arith.constant 1 : i32
    %dma_start3A_386 = arith.constant 1 : i32
    %dma_start3A_387 = arith.constant 0 : i32
    %dma_start3A_388 = arith.constant 0 : i32
    %dma_start3A_389 = tpu.memref_slice %arg12[%dma_start3A_385, %dma_start3A_387, %dma_start3A_388] : memref<7x128x128xf32, #tpu.memory_space<vmem>> -> memref<1x128x128xf32, #tpu.memory_space<vmem>>
    %dma_start3A_390 = tpu.memref_squeeze %dma_start3A_389 : memref<1x128x128xf32, #tpu.memory_space<vmem>> -> memref<128x128xf32, #tpu.memory_space<vmem>>
    %dma_start3A_391 = arith.constant 0 : i32
    %dma_start3A_392 = tpu.memref_slice %arg11[%dma_start3A_383, %dma_start3A_384, %dma_start3A_391] : memref<3x4x128xi32, #tpu.memory_space<vmem>> -> memref<1x1x128xi32, #tpu.memory_space<vmem>>
    %dma_start3A_393 = tpu.memref_squeeze %dma_start3A_392 : memref<1x1x128xi32, #tpu.memory_space<vmem>> -> memref<128xi32, #tpu.memory_space<vmem>>
    %dma_start3A_394 = arith.constant 0 : i32
    %dma_start3A_395 = arith.constant 0 : i32
    %dma_start3A_396 = tpu.memref_slice %arg7[%dma_start3A_394, %dma_start3A_395] : memref<100000x128xf32, #tpu.memory_space<hbm>> -> memref<100000x128xf32, #tpu.memory_space<hbm>>
    %dma_start3A_397 = tpu.memref_slice %arg14[%dma_start3A_386] : memref<7x!tpu.dma_semaphore, #tpu.memory_space<semaphore_mem>> -> memref<1x!tpu.dma_semaphore, #tpu.memory_space<semaphore_mem>>
    %dma_start3A_398 = tpu.memref_squeeze %dma_start3A_397 : memref<1x!tpu.dma_semaphore, #tpu.memory_space<semaphore_mem>> -> memref<!tpu.dma_semaphore, #tpu.memory_space<semaphore_mem>>
    tpu.enqueue_indirect_dma source(%dma_start3A_396 : memref<100000x128xf32, #tpu.memory_space<hbm>>) target(%dma_start3A_390 : memref<128x128xf32, #tpu.memory_space<vmem>>) offsets(%dma_start3A_393 : memref<128xi32, #tpu.memory_space<vmem>>) semaphore(%dma_start3A_398 : memref<!tpu.dma_semaphore, #tpu.memory_space<semaphore_mem>>)
    %dma_wait3A_399 = arith.constant 0 : i32
    %dma_wait3A_400 = arith.constant 3 : i32
    %dma_wait3A_401 = arith.constant 3 : i32
    %dma_wait3A_402 = arith.constant 3 : i32
    %dma_wait3A_403 = arith.constant 0 : i32
    %dma_wait3A_404 = arith.constant 0 : i32
    %dma_wait3A_405 = tpu.memref_slice %arg12[%dma_wait3A_401, %dma_wait3A_403, %dma_wait3A_404] : memref<7x128x128xf32, #tpu.memory_space<vmem>> -> memref<1x128x128xf32, #tpu.memory_space<vmem>>
    %dma_wait3A_406 = tpu.memref_squeeze %dma_wait3A_405 : memref<1x128x128xf32, #tpu.memory_space<vmem>> -> memref<128x128xf32, #tpu.memory_space<vmem>>
    %dma_wait3A_407 = arith.constant 0 : i32
    %dma_wait3A_408 = tpu.memref_slice %arg11[%dma_wait3A_399, %dma_wait3A_400, %dma_wait3A_407] : memref<3x4x128xi32, #tpu.memory_space<vmem>> -> memref<1x1x128xi32, #tpu.memory_space<vmem>>
    %dma_wait3A_409 = tpu.memref_squeeze %dma_wait3A_408 : memref<1x1x128xi32, #tpu.memory_space<vmem>> -> memref<128xi32, #tpu.memory_space<vmem>>
    %dma_wait3A_410 = arith.constant 0 : i32
    %dma_wait3A_411 = arith.constant 0 : i32
    %dma_wait3A_412 = tpu.memref_slice %arg5[%dma_wait3A_410, %dma_wait3A_411] : memref<100000x128xf32, #tpu.memory_space<hbm>> -> memref<100000x128xf32, #tpu.memory_space<hbm>>
    %dma_wait3A_413 = tpu.memref_slice %arg14[%dma_wait3A_402] : memref<7x!tpu.dma_semaphore, #tpu.memory_space<semaphore_mem>> -> memref<1x!tpu.dma_semaphore, #tpu.memory_space<semaphore_mem>>
    %dma_wait3A_414 = tpu.memref_squeeze %dma_wait3A_413 : memref<1x!tpu.dma_semaphore, #tpu.memory_space<semaphore_mem>> -> memref<!tpu.dma_semaphore, #tpu.memory_space<semaphore_mem>>
    tpu.wait_indirect_dma semaphore(%dma_wait3A_414 : memref<!tpu.dma_semaphore, #tpu.memory_space<semaphore_mem>>) src(%dma_wait3A_412 : memref<100000x128xf32, #tpu.memory_space<hbm>>) dst(%dma_wait3A_406 : memref<128x128xf32, #tpu.memory_space<vmem>>)
    %add3A_415 = arith.constant 384 : i32
    %add3A_416 = arith.addi %mul3A_2, %add3A_415 : i32
    %dma_start3A_417 = arith.constant 3 : i32
    %dma_start3A_418 = arith.constant 3 : i32
    %dma_start3A_419 = arith.constant 0 : i32
    %dma_start3A_420 = arith.constant 0 : i32
    %dma_start3A_421 = tpu.memref_slice %arg12[%dma_start3A_417, %dma_start3A_419, %dma_start3A_420] : memref<7x128x128xf32, #tpu.memory_space<vmem>> -> memref<1x128x128xf32, #tpu.memory_space<vmem>>
    %dma_start3A_422 = tpu.memref_squeeze %dma_start3A_421 : memref<1x128x128xf32, #tpu.memory_space<vmem>> -> memref<128x128xf32, #tpu.memory_space<vmem>>
    %dma_start3A_423 = arith.constant 0 : i32
    %dma_start3A_424 = tpu.memref_slice %arg8[%add3A_416, %dma_start3A_423] : memref<16384x128xf32, #tpu.memory_space<hbm>> -> memref<128x128xf32, #tpu.memory_space<hbm>>
    %dma_start3A_425 = tpu.memref_slice %arg15[%dma_start3A_418] : memref<7x!tpu.dma_semaphore, #tpu.memory_space<semaphore_mem>> -> memref<1x!tpu.dma_semaphore, #tpu.memory_space<semaphore_mem>>
    %dma_start3A_426 = tpu.memref_squeeze %dma_start3A_425 : memref<1x!tpu.dma_semaphore, #tpu.memory_space<semaphore_mem>> -> memref<!tpu.dma_semaphore, #tpu.memory_space<semaphore_mem>>
    %dma_start3A_427 = arith.constant 0 : i32
    %dma_start3A_428 = tpu.memref_slice %arg8[%add3A_416, %dma_start3A_427] : memref<16384x128xf32, #tpu.memory_space<hbm>> -> memref<128x128xf32, #tpu.memory_space<hbm>>
    %dma_start3A_429 = arith.constant 0 : i32
    %dma_start3A_430 = arith.constant 0 : i32
    %dma_start3A_431 = tpu.memref_slice %arg12[%dma_start3A_417, %dma_start3A_429, %dma_start3A_430] : memref<7x128x128xf32, #tpu.memory_space<vmem>> -> memref<1x128x128xf32, #tpu.memory_space<vmem>>
    %dma_start3A_432 = tpu.memref_squeeze %dma_start3A_431 : memref<1x128x128xf32, #tpu.memory_space<vmem>> -> memref<128x128xf32, #tpu.memory_space<vmem>>
    tpu.enqueue_dma source(%dma_start3A_432 : memref<128x128xf32, #tpu.memory_space<vmem>>) target(%dma_start3A_428 : memref<128x128xf32, #tpu.memory_space<hbm>>) target_semaphore(%dma_start3A_426 : memref<!tpu.dma_semaphore, #tpu.memory_space<semaphore_mem>>)
    %dma_wait3A_433 = arith.constant 2 : i32
    %dma_wait3A_434 = arith.constant 2 : i32
    %dma_wait3A_435 = arith.constant 0 : i32
    %dma_wait3A_436 = arith.constant 0 : i32
    %dma_wait3A_437 = tpu.memref_slice %arg12[%dma_wait3A_433, %dma_wait3A_435, %dma_wait3A_436] : memref<7x128x128xf32, #tpu.memory_space<vmem>> -> memref<1x128x128xf32, #tpu.memory_space<vmem>>
    %dma_wait3A_438 = tpu.memref_squeeze %dma_wait3A_437 : memref<1x128x128xf32, #tpu.memory_space<vmem>> -> memref<128x128xf32, #tpu.memory_space<vmem>>
    %dma_wait3A_439 = arith.constant 0 : i32
    %dma_wait3A_440 = tpu.memref_slice %arg8[%add3A_330, %dma_wait3A_439] : memref<16384x128xf32, #tpu.memory_space<hbm>> -> memref<128x128xf32, #tpu.memory_space<hbm>>
    %dma_wait3A_441 = tpu.memref_slice %arg15[%dma_wait3A_434] : memref<7x!tpu.dma_semaphore, #tpu.memory_space<semaphore_mem>> -> memref<1x!tpu.dma_semaphore, #tpu.memory_space<semaphore_mem>>
    %dma_wait3A_442 = tpu.memref_squeeze %dma_wait3A_441 : memref<1x!tpu.dma_semaphore, #tpu.memory_space<semaphore_mem>> -> memref<!tpu.dma_semaphore, #tpu.memory_space<semaphore_mem>>
    %dma_wait3A_443 = arith.constant 0 : i32
    %dma_wait3A_444 = tpu.memref_slice %arg8[%add3A_330, %dma_wait3A_443] : memref<16384x128xf32, #tpu.memory_space<hbm>> -> memref<128x128xf32, #tpu.memory_space<hbm>>
    %dma_wait3A_445 = arith.constant 0 : i32
    %dma_wait3A_446 = arith.constant 0 : i32
    %dma_wait3A_447 = tpu.memref_slice %arg12[%dma_wait3A_433, %dma_wait3A_445, %dma_wait3A_446] : memref<7x128x128xf32, #tpu.memory_space<vmem>> -> memref<1x128x128xf32, #tpu.memory_space<vmem>>
    %dma_wait3A_448 = tpu.memref_squeeze %dma_wait3A_447 : memref<1x128x128xf32, #tpu.memory_space<vmem>> -> memref<128x128xf32, #tpu.memory_space<vmem>>
    tpu.wait_dma2 semaphore(%dma_wait3A_442 : memref<!tpu.dma_semaphore, #tpu.memory_space<semaphore_mem>>) src(%dma_wait3A_448 : memref<128x128xf32, #tpu.memory_space<vmem>>) dst(%dma_wait3A_444 : memref<128x128xf32, #tpu.memory_space<hbm>>)
    %dma_start3A_449 = arith.constant 2 : i32
    %dma_start3A_450 = arith.constant 1 : i32
    %dma_start3A_451 = arith.constant 2 : i32
    %dma_start3A_452 = arith.constant 2 : i32
    %dma_start3A_453 = arith.constant 0 : i32
    %dma_start3A_454 = arith.constant 0 : i32
    %dma_start3A_455 = tpu.memref_slice %arg12[%dma_start3A_451, %dma_start3A_453, %dma_start3A_454] : memref<7x128x128xf32, #tpu.memory_space<vmem>> -> memref<1x128x128xf32, #tpu.memory_space<vmem>>
    %dma_start3A_456 = tpu.memref_squeeze %dma_start3A_455 : memref<1x128x128xf32, #tpu.memory_space<vmem>> -> memref<128x128xf32, #tpu.memory_space<vmem>>
    %dma_start3A_457 = arith.constant 0 : i32
    %dma_start3A_458 = tpu.memref_slice %arg11[%dma_start3A_449, %dma_start3A_450, %dma_start3A_457] : memref<3x4x128xi32, #tpu.memory_space<vmem>> -> memref<1x1x128xi32, #tpu.memory_space<vmem>>
    %dma_start3A_459 = tpu.memref_squeeze %dma_start3A_458 : memref<1x1x128xi32, #tpu.memory_space<vmem>> -> memref<128xi32, #tpu.memory_space<vmem>>
    %dma_start3A_460 = arith.constant 0 : i32
    %dma_start3A_461 = arith.constant 0 : i32
    %dma_start3A_462 = tpu.memref_slice %arg7[%dma_start3A_460, %dma_start3A_461] : memref<100000x128xf32, #tpu.memory_space<hbm>> -> memref<100000x128xf32, #tpu.memory_space<hbm>>
    %dma_start3A_463 = tpu.memref_slice %arg14[%dma_start3A_452] : memref<7x!tpu.dma_semaphore, #tpu.memory_space<semaphore_mem>> -> memref<1x!tpu.dma_semaphore, #tpu.memory_space<semaphore_mem>>
    %dma_start3A_464 = tpu.memref_squeeze %dma_start3A_463 : memref<1x!tpu.dma_semaphore, #tpu.memory_space<semaphore_mem>> -> memref<!tpu.dma_semaphore, #tpu.memory_space<semaphore_mem>>
    tpu.enqueue_indirect_dma source(%dma_start3A_462 : memref<100000x128xf32, #tpu.memory_space<hbm>>) target(%dma_start3A_456 : memref<128x128xf32, #tpu.memory_space<vmem>>) offsets(%dma_start3A_459 : memref<128xi32, #tpu.memory_space<vmem>>) semaphore(%dma_start3A_464 : memref<!tpu.dma_semaphore, #tpu.memory_space<semaphore_mem>>)
    %dma_wait3A_465 = arith.constant 1 : i32
    %dma_wait3A_466 = arith.constant 0 : i32
    %dma_wait3A_467 = arith.constant 4 : i32
    %dma_wait3A_468 = arith.constant 4 : i32
    %dma_wait3A_469 = arith.constant 0 : i32
    %dma_wait3A_470 = arith.constant 0 : i32
    %dma_wait3A_471 = tpu.memref_slice %arg12[%dma_wait3A_467, %dma_wait3A_469, %dma_wait3A_470] : memref<7x128x128xf32, #tpu.memory_space<vmem>> -> memref<1x128x128xf32, #tpu.memory_space<vmem>>
    %dma_wait3A_472 = tpu.memref_squeeze %dma_wait3A_471 : memref<1x128x128xf32, #tpu.memory_space<vmem>> -> memref<128x128xf32, #tpu.memory_space<vmem>>
    %dma_wait3A_473 = arith.constant 0 : i32
    %dma_wait3A_474 = tpu.memref_slice %arg11[%dma_wait3A_465, %dma_wait3A_466, %dma_wait3A_473] : memref<3x4x128xi32, #tpu.memory_space<vmem>> -> memref<1x1x128xi32, #tpu.memory_space<vmem>>
    %dma_wait3A_475 = tpu.memref_squeeze %dma_wait3A_474 : memref<1x1x128xi32, #tpu.memory_space<vmem>> -> memref<128xi32, #tpu.memory_space<vmem>>
    %dma_wait3A_476 = arith.constant 0 : i32
    %dma_wait3A_477 = arith.constant 0 : i32
    %dma_wait3A_478 = tpu.memref_slice %arg6[%dma_wait3A_476, %dma_wait3A_477] : memref<100000x128xf32, #tpu.memory_space<hbm>> -> memref<100000x128xf32, #tpu.memory_space<hbm>>
    %dma_wait3A_479 = tpu.memref_slice %arg14[%dma_wait3A_468] : memref<7x!tpu.dma_semaphore, #tpu.memory_space<semaphore_mem>> -> memref<1x!tpu.dma_semaphore, #tpu.memory_space<semaphore_mem>>
    %dma_wait3A_480 = tpu.memref_squeeze %dma_wait3A_479 : memref<1x!tpu.dma_semaphore, #tpu.memory_space<semaphore_mem>> -> memref<!tpu.dma_semaphore, #tpu.memory_space<semaphore_mem>>
    tpu.wait_indirect_dma semaphore(%dma_wait3A_480 : memref<!tpu.dma_semaphore, #tpu.memory_space<semaphore_mem>>) src(%dma_wait3A_478 : memref<100000x128xf32, #tpu.memory_space<hbm>>) dst(%dma_wait3A_472 : memref<128x128xf32, #tpu.memory_space<vmem>>)
    %add3A_481 = arith.constant 0 : i32
    %add3A_482 = arith.addi %mul3A_2, %add3A_481 : i32
    %dma_start3A_483 = arith.constant 4 : i32
    %dma_start3A_484 = arith.constant 4 : i32
    %dma_start3A_485 = arith.constant 0 : i32
    %dma_start3A_486 = arith.constant 0 : i32
    %dma_start3A_487 = tpu.memref_slice %arg12[%dma_start3A_483, %dma_start3A_485, %dma_start3A_486] : memref<7x128x128xf32, #tpu.memory_space<vmem>> -> memref<1x128x128xf32, #tpu.memory_space<vmem>>
    %dma_start3A_488 = tpu.memref_squeeze %dma_start3A_487 : memref<1x128x128xf32, #tpu.memory_space<vmem>> -> memref<128x128xf32, #tpu.memory_space<vmem>>
    %dma_start3A_489 = arith.constant 0 : i32
    %dma_start3A_490 = tpu.memref_slice %arg9[%add3A_482, %dma_start3A_489] : memref<16384x128xf32, #tpu.memory_space<hbm>> -> memref<128x128xf32, #tpu.memory_space<hbm>>
    %dma_start3A_491 = tpu.memref_slice %arg15[%dma_start3A_484] : memref<7x!tpu.dma_semaphore, #tpu.memory_space<semaphore_mem>> -> memref<1x!tpu.dma_semaphore, #tpu.memory_space<semaphore_mem>>
    %dma_start3A_492 = tpu.memref_squeeze %dma_start3A_491 : memref<1x!tpu.dma_semaphore, #tpu.memory_space<semaphore_mem>> -> memref<!tpu.dma_semaphore, #tpu.memory_space<semaphore_mem>>
    %dma_start3A_493 = arith.constant 0 : i32
    %dma_start3A_494 = tpu.memref_slice %arg9[%add3A_482, %dma_start3A_493] : memref<16384x128xf32, #tpu.memory_space<hbm>> -> memref<128x128xf32, #tpu.memory_space<hbm>>
    %dma_start3A_495 = arith.constant 0 : i32
    %dma_start3A_496 = arith.constant 0 : i32
    %dma_start3A_497 = tpu.memref_slice %arg12[%dma_start3A_483, %dma_start3A_495, %dma_start3A_496] : memref<7x128x128xf32, #tpu.memory_space<vmem>> -> memref<1x128x128xf32, #tpu.memory_space<vmem>>
    %dma_start3A_498 = tpu.memref_squeeze %dma_start3A_497 : memref<1x128x128xf32, #tpu.memory_space<vmem>> -> memref<128x128xf32, #tpu.memory_space<vmem>>
    tpu.enqueue_dma source(%dma_start3A_498 : memref<128x128xf32, #tpu.memory_space<vmem>>) target(%dma_start3A_494 : memref<128x128xf32, #tpu.memory_space<hbm>>) target_semaphore(%dma_start3A_492 : memref<!tpu.dma_semaphore, #tpu.memory_space<semaphore_mem>>)
    %dma_wait3A_499 = arith.constant 3 : i32
    %dma_wait3A_500 = arith.constant 3 : i32
    %dma_wait3A_501 = arith.constant 0 : i32
    %dma_wait3A_502 = arith.constant 0 : i32
    %dma_wait3A_503 = tpu.memref_slice %arg12[%dma_wait3A_499, %dma_wait3A_501, %dma_wait3A_502] : memref<7x128x128xf32, #tpu.memory_space<vmem>> -> memref<1x128x128xf32, #tpu.memory_space<vmem>>
    %dma_wait3A_504 = tpu.memref_squeeze %dma_wait3A_503 : memref<1x128x128xf32, #tpu.memory_space<vmem>> -> memref<128x128xf32, #tpu.memory_space<vmem>>
    %dma_wait3A_505 = arith.constant 0 : i32
    %dma_wait3A_506 = tpu.memref_slice %arg8[%add3A_416, %dma_wait3A_505] : memref<16384x128xf32, #tpu.memory_space<hbm>> -> memref<128x128xf32, #tpu.memory_space<hbm>>
    %dma_wait3A_507 = tpu.memref_slice %arg15[%dma_wait3A_500] : memref<7x!tpu.dma_semaphore, #tpu.memory_space<semaphore_mem>> -> memref<1x!tpu.dma_semaphore, #tpu.memory_space<semaphore_mem>>
    %dma_wait3A_508 = tpu.memref_squeeze %dma_wait3A_507 : memref<1x!tpu.dma_semaphore, #tpu.memory_space<semaphore_mem>> -> memref<!tpu.dma_semaphore, #tpu.memory_space<semaphore_mem>>
    %dma_wait3A_509 = arith.constant 0 : i32
    %dma_wait3A_510 = tpu.memref_slice %arg8[%add3A_416, %dma_wait3A_509] : memref<16384x128xf32, #tpu.memory_space<hbm>> -> memref<128x128xf32, #tpu.memory_space<hbm>>
    %dma_wait3A_511 = arith.constant 0 : i32
    %dma_wait3A_512 = arith.constant 0 : i32
    %dma_wait3A_513 = tpu.memref_slice %arg12[%dma_wait3A_499, %dma_wait3A_511, %dma_wait3A_512] : memref<7x128x128xf32, #tpu.memory_space<vmem>> -> memref<1x128x128xf32, #tpu.memory_space<vmem>>
    %dma_wait3A_514 = tpu.memref_squeeze %dma_wait3A_513 : memref<1x128x128xf32, #tpu.memory_space<vmem>> -> memref<128x128xf32, #tpu.memory_space<vmem>>
    tpu.wait_dma2 semaphore(%dma_wait3A_508 : memref<!tpu.dma_semaphore, #tpu.memory_space<semaphore_mem>>) src(%dma_wait3A_514 : memref<128x128xf32, #tpu.memory_space<vmem>>) dst(%dma_wait3A_510 : memref<128x128xf32, #tpu.memory_space<hbm>>)
    %dma_start3A_515 = arith.constant 2 : i32
    %dma_start3A_516 = arith.constant 2 : i32
    %dma_start3A_517 = arith.constant 3 : i32
    %dma_start3A_518 = arith.constant 3 : i32
    %dma_start3A_519 = arith.constant 0 : i32
    %dma_start3A_520 = arith.constant 0 : i32
    %dma_start3A_521 = tpu.memref_slice %arg12[%dma_start3A_517, %dma_start3A_519, %dma_start3A_520] : memref<7x128x128xf32, #tpu.memory_space<vmem>> -> memref<1x128x128xf32, #tpu.memory_space<vmem>>
    %dma_start3A_522 = tpu.memref_squeeze %dma_start3A_521 : memref<1x128x128xf32, #tpu.memory_space<vmem>> -> memref<128x128xf32, #tpu.memory_space<vmem>>
    %dma_start3A_523 = arith.constant 0 : i32
    %dma_start3A_524 = tpu.memref_slice %arg11[%dma_start3A_515, %dma_start3A_516, %dma_start3A_523] : memref<3x4x128xi32, #tpu.memory_space<vmem>> -> memref<1x1x128xi32, #tpu.memory_space<vmem>>
    %dma_start3A_525 = tpu.memref_squeeze %dma_start3A_524 : memref<1x1x128xi32, #tpu.memory_space<vmem>> -> memref<128xi32, #tpu.memory_space<vmem>>
    %dma_start3A_526 = arith.constant 0 : i32
    %dma_start3A_527 = arith.constant 0 : i32
    %dma_start3A_528 = tpu.memref_slice %arg7[%dma_start3A_526, %dma_start3A_527] : memref<100000x128xf32, #tpu.memory_space<hbm>> -> memref<100000x128xf32, #tpu.memory_space<hbm>>
    %dma_start3A_529 = tpu.memref_slice %arg14[%dma_start3A_518] : memref<7x!tpu.dma_semaphore, #tpu.memory_space<semaphore_mem>> -> memref<1x!tpu.dma_semaphore, #tpu.memory_space<semaphore_mem>>
    %dma_start3A_530 = tpu.memref_squeeze %dma_start3A_529 : memref<1x!tpu.dma_semaphore, #tpu.memory_space<semaphore_mem>> -> memref<!tpu.dma_semaphore, #tpu.memory_space<semaphore_mem>>
    tpu.enqueue_indirect_dma source(%dma_start3A_528 : memref<100000x128xf32, #tpu.memory_space<hbm>>) target(%dma_start3A_522 : memref<128x128xf32, #tpu.memory_space<vmem>>) offsets(%dma_start3A_525 : memref<128xi32, #tpu.memory_space<vmem>>) semaphore(%dma_start3A_530 : memref<!tpu.dma_semaphore, #tpu.memory_space<semaphore_mem>>)
    %dma_wait3A_531 = arith.constant 1 : i32
    %dma_wait3A_532 = arith.constant 1 : i32
    %dma_wait3A_533 = arith.constant 5 : i32
    %dma_wait3A_534 = arith.constant 5 : i32
    %dma_wait3A_535 = arith.constant 0 : i32
    %dma_wait3A_536 = arith.constant 0 : i32
    %dma_wait3A_537 = tpu.memref_slice %arg12[%dma_wait3A_533, %dma_wait3A_535, %dma_wait3A_536] : memref<7x128x128xf32, #tpu.memory_space<vmem>> -> memref<1x128x128xf32, #tpu.memory_space<vmem>>
    %dma_wait3A_538 = tpu.memref_squeeze %dma_wait3A_537 : memref<1x128x128xf32, #tpu.memory_space<vmem>> -> memref<128x128xf32, #tpu.memory_space<vmem>>
    %dma_wait3A_539 = arith.constant 0 : i32
    %dma_wait3A_540 = tpu.memref_slice %arg11[%dma_wait3A_531, %dma_wait3A_532, %dma_wait3A_539] : memref<3x4x128xi32, #tpu.memory_space<vmem>> -> memref<1x1x128xi32, #tpu.memory_space<vmem>>
    %dma_wait3A_541 = tpu.memref_squeeze %dma_wait3A_540 : memref<1x1x128xi32, #tpu.memory_space<vmem>> -> memref<128xi32, #tpu.memory_space<vmem>>
    %dma_wait3A_542 = arith.constant 0 : i32
    %dma_wait3A_543 = arith.constant 0 : i32
    %dma_wait3A_544 = tpu.memref_slice %arg6[%dma_wait3A_542, %dma_wait3A_543] : memref<100000x128xf32, #tpu.memory_space<hbm>> -> memref<100000x128xf32, #tpu.memory_space<hbm>>
    %dma_wait3A_545 = tpu.memref_slice %arg14[%dma_wait3A_534] : memref<7x!tpu.dma_semaphore, #tpu.memory_space<semaphore_mem>> -> memref<1x!tpu.dma_semaphore, #tpu.memory_space<semaphore_mem>>
    %dma_wait3A_546 = tpu.memref_squeeze %dma_wait3A_545 : memref<1x!tpu.dma_semaphore, #tpu.memory_space<semaphore_mem>> -> memref<!tpu.dma_semaphore, #tpu.memory_space<semaphore_mem>>
    tpu.wait_indirect_dma semaphore(%dma_wait3A_546 : memref<!tpu.dma_semaphore, #tpu.memory_space<semaphore_mem>>) src(%dma_wait3A_544 : memref<100000x128xf32, #tpu.memory_space<hbm>>) dst(%dma_wait3A_538 : memref<128x128xf32, #tpu.memory_space<vmem>>)
    %add3A_547 = arith.constant 128 : i32
    %add3A_548 = arith.addi %mul3A_2, %add3A_547 : i32
    %dma_start3A_549 = arith.constant 5 : i32
    %dma_start3A_550 = arith.constant 5 : i32
    %dma_start3A_551 = arith.constant 0 : i32
    %dma_start3A_552 = arith.constant 0 : i32
    %dma_start3A_553 = tpu.memref_slice %arg12[%dma_start3A_549, %dma_start3A_551, %dma_start3A_552] : memref<7x128x128xf32, #tpu.memory_space<vmem>> -> memref<1x128x128xf32, #tpu.memory_space<vmem>>
    %dma_start3A_554 = tpu.memref_squeeze %dma_start3A_553 : memref<1x128x128xf32, #tpu.memory_space<vmem>> -> memref<128x128xf32, #tpu.memory_space<vmem>>
    %dma_start3A_555 = arith.constant 0 : i32
    %dma_start3A_556 = tpu.memref_slice %arg9[%add3A_548, %dma_start3A_555] : memref<16384x128xf32, #tpu.memory_space<hbm>> -> memref<128x128xf32, #tpu.memory_space<hbm>>
    %dma_start3A_557 = tpu.memref_slice %arg15[%dma_start3A_550] : memref<7x!tpu.dma_semaphore, #tpu.memory_space<semaphore_mem>> -> memref<1x!tpu.dma_semaphore, #tpu.memory_space<semaphore_mem>>
    %dma_start3A_558 = tpu.memref_squeeze %dma_start3A_557 : memref<1x!tpu.dma_semaphore, #tpu.memory_space<semaphore_mem>> -> memref<!tpu.dma_semaphore, #tpu.memory_space<semaphore_mem>>
    %dma_start3A_559 = arith.constant 0 : i32
    %dma_start3A_560 = tpu.memref_slice %arg9[%add3A_548, %dma_start3A_559] : memref<16384x128xf32, #tpu.memory_space<hbm>> -> memref<128x128xf32, #tpu.memory_space<hbm>>
    %dma_start3A_561 = arith.constant 0 : i32
    %dma_start3A_562 = arith.constant 0 : i32
    %dma_start3A_563 = tpu.memref_slice %arg12[%dma_start3A_549, %dma_start3A_561, %dma_start3A_562] : memref<7x128x128xf32, #tpu.memory_space<vmem>> -> memref<1x128x128xf32, #tpu.memory_space<vmem>>
    %dma_start3A_564 = tpu.memref_squeeze %dma_start3A_563 : memref<1x128x128xf32, #tpu.memory_space<vmem>> -> memref<128x128xf32, #tpu.memory_space<vmem>>
    tpu.enqueue_dma source(%dma_start3A_564 : memref<128x128xf32, #tpu.memory_space<vmem>>) target(%dma_start3A_560 : memref<128x128xf32, #tpu.memory_space<hbm>>) target_semaphore(%dma_start3A_558 : memref<!tpu.dma_semaphore, #tpu.memory_space<semaphore_mem>>)
    %dma_wait3A_565 = arith.constant 4 : i32
    %dma_wait3A_566 = arith.constant 4 : i32
    %dma_wait3A_567 = arith.constant 0 : i32
    %dma_wait3A_568 = arith.constant 0 : i32
    %dma_wait3A_569 = tpu.memref_slice %arg12[%dma_wait3A_565, %dma_wait3A_567, %dma_wait3A_568] : memref<7x128x128xf32, #tpu.memory_space<vmem>> -> memref<1x128x128xf32, #tpu.memory_space<vmem>>
    %dma_wait3A_570 = tpu.memref_squeeze %dma_wait3A_569 : memref<1x128x128xf32, #tpu.memory_space<vmem>> -> memref<128x128xf32, #tpu.memory_space<vmem>>
    %dma_wait3A_571 = arith.constant 0 : i32
    %dma_wait3A_572 = tpu.memref_slice %arg9[%add3A_482, %dma_wait3A_571] : memref<16384x128xf32, #tpu.memory_space<hbm>> -> memref<128x128xf32, #tpu.memory_space<hbm>>
    %dma_wait3A_573 = tpu.memref_slice %arg15[%dma_wait3A_566] : memref<7x!tpu.dma_semaphore, #tpu.memory_space<semaphore_mem>> -> memref<1x!tpu.dma_semaphore, #tpu.memory_space<semaphore_mem>>
    %dma_wait3A_574 = tpu.memref_squeeze %dma_wait3A_573 : memref<1x!tpu.dma_semaphore, #tpu.memory_space<semaphore_mem>> -> memref<!tpu.dma_semaphore, #tpu.memory_space<semaphore_mem>>
    %dma_wait3A_575 = arith.constant 0 : i32
    %dma_wait3A_576 = tpu.memref_slice %arg9[%add3A_482, %dma_wait3A_575] : memref<16384x128xf32, #tpu.memory_space<hbm>> -> memref<128x128xf32, #tpu.memory_space<hbm>>
    %dma_wait3A_577 = arith.constant 0 : i32
    %dma_wait3A_578 = arith.constant 0 : i32
    %dma_wait3A_579 = tpu.memref_slice %arg12[%dma_wait3A_565, %dma_wait3A_577, %dma_wait3A_578] : memref<7x128x128xf32, #tpu.memory_space<vmem>> -> memref<1x128x128xf32, #tpu.memory_space<vmem>>
    %dma_wait3A_580 = tpu.memref_squeeze %dma_wait3A_579 : memref<1x128x128xf32, #tpu.memory_space<vmem>> -> memref<128x128xf32, #tpu.memory_space<vmem>>
    tpu.wait_dma2 semaphore(%dma_wait3A_574 : memref<!tpu.dma_semaphore, #tpu.memory_space<semaphore_mem>>) src(%dma_wait3A_580 : memref<128x128xf32, #tpu.memory_space<vmem>>) dst(%dma_wait3A_576 : memref<128x128xf32, #tpu.memory_space<hbm>>)
    %dma_start3A_581 = arith.constant 2 : i32
    %dma_start3A_582 = arith.constant 3 : i32
    %dma_start3A_583 = arith.constant 4 : i32
    %dma_start3A_584 = arith.constant 4 : i32
    %dma_start3A_585 = arith.constant 0 : i32
    %dma_start3A_586 = arith.constant 0 : i32
    %dma_start3A_587 = tpu.memref_slice %arg12[%dma_start3A_583, %dma_start3A_585, %dma_start3A_586] : memref<7x128x128xf32, #tpu.memory_space<vmem>> -> memref<1x128x128xf32, #tpu.memory_space<vmem>>
    %dma_start3A_588 = tpu.memref_squeeze %dma_start3A_587 : memref<1x128x128xf32, #tpu.memory_space<vmem>> -> memref<128x128xf32, #tpu.memory_space<vmem>>
    %dma_start3A_589 = arith.constant 0 : i32
    %dma_start3A_590 = tpu.memref_slice %arg11[%dma_start3A_581, %dma_start3A_582, %dma_start3A_589] : memref<3x4x128xi32, #tpu.memory_space<vmem>> -> memref<1x1x128xi32, #tpu.memory_space<vmem>>
    %dma_start3A_591 = tpu.memref_squeeze %dma_start3A_590 : memref<1x1x128xi32, #tpu.memory_space<vmem>> -> memref<128xi32, #tpu.memory_space<vmem>>
    %dma_start3A_592 = arith.constant 0 : i32
    %dma_start3A_593 = arith.constant 0 : i32
    %dma_start3A_594 = tpu.memref_slice %arg7[%dma_start3A_592, %dma_start3A_593] : memref<100000x128xf32, #tpu.memory_space<hbm>> -> memref<100000x128xf32, #tpu.memory_space<hbm>>
    %dma_start3A_595 = tpu.memref_slice %arg14[%dma_start3A_584] : memref<7x!tpu.dma_semaphore, #tpu.memory_space<semaphore_mem>> -> memref<1x!tpu.dma_semaphore, #tpu.memory_space<semaphore_mem>>
    %dma_start3A_596 = tpu.memref_squeeze %dma_start3A_595 : memref<1x!tpu.dma_semaphore, #tpu.memory_space<semaphore_mem>> -> memref<!tpu.dma_semaphore, #tpu.memory_space<semaphore_mem>>
    tpu.enqueue_indirect_dma source(%dma_start3A_594 : memref<100000x128xf32, #tpu.memory_space<hbm>>) target(%dma_start3A_588 : memref<128x128xf32, #tpu.memory_space<vmem>>) offsets(%dma_start3A_591 : memref<128xi32, #tpu.memory_space<vmem>>) semaphore(%dma_start3A_596 : memref<!tpu.dma_semaphore, #tpu.memory_space<semaphore_mem>>)
    %dma_wait3A_597 = arith.constant 1 : i32
    %dma_wait3A_598 = arith.constant 2 : i32
    %dma_wait3A_599 = arith.constant 6 : i32
    %dma_wait3A_600 = arith.constant 6 : i32
    %dma_wait3A_601 = arith.constant 0 : i32
    %dma_wait3A_602 = arith.constant 0 : i32
    %dma_wait3A_603 = tpu.memref_slice %arg12[%dma_wait3A_599, %dma_wait3A_601, %dma_wait3A_602] : memref<7x128x128xf32, #tpu.memory_space<vmem>> -> memref<1x128x128xf32, #tpu.memory_space<vmem>>
    %dma_wait3A_604 = tpu.memref_squeeze %dma_wait3A_603 : memref<1x128x128xf32, #tpu.memory_space<vmem>> -> memref<128x128xf32, #tpu.memory_space<vmem>>
    %dma_wait3A_605 = arith.constant 0 : i32
    %dma_wait3A_606 = tpu.memref_slice %arg11[%dma_wait3A_597, %dma_wait3A_598, %dma_wait3A_605] : memref<3x4x128xi32, #tpu.memory_space<vmem>> -> memref<1x1x128xi32, #tpu.memory_space<vmem>>
    %dma_wait3A_607 = tpu.memref_squeeze %dma_wait3A_606 : memref<1x1x128xi32, #tpu.memory_space<vmem>> -> memref<128xi32, #tpu.memory_space<vmem>>
    %dma_wait3A_608 = arith.constant 0 : i32
    %dma_wait3A_609 = arith.constant 0 : i32
    %dma_wait3A_610 = tpu.memref_slice %arg6[%dma_wait3A_608, %dma_wait3A_609] : memref<100000x128xf32, #tpu.memory_space<hbm>> -> memref<100000x128xf32, #tpu.memory_space<hbm>>
    %dma_wait3A_611 = tpu.memref_slice %arg14[%dma_wait3A_600] : memref<7x!tpu.dma_semaphore, #tpu.memory_space<semaphore_mem>> -> memref<1x!tpu.dma_semaphore, #tpu.memory_space<semaphore_mem>>
    %dma_wait3A_612 = tpu.memref_squeeze %dma_wait3A_611 : memref<1x!tpu.dma_semaphore, #tpu.memory_space<semaphore_mem>> -> memref<!tpu.dma_semaphore, #tpu.memory_space<semaphore_mem>>
    tpu.wait_indirect_dma semaphore(%dma_wait3A_612 : memref<!tpu.dma_semaphore, #tpu.memory_space<semaphore_mem>>) src(%dma_wait3A_610 : memref<100000x128xf32, #tpu.memory_space<hbm>>) dst(%dma_wait3A_604 : memref<128x128xf32, #tpu.memory_space<vmem>>)
    %add3A_613 = arith.constant 256 : i32
    %add3A_614 = arith.addi %mul3A_2, %add3A_613 : i32
    %dma_start3A_615 = arith.constant 6 : i32
    %dma_start3A_616 = arith.constant 6 : i32
    %dma_start3A_617 = arith.constant 0 : i32
    %dma_start3A_618 = arith.constant 0 : i32
    %dma_start3A_619 = tpu.memref_slice %arg12[%dma_start3A_615, %dma_start3A_617, %dma_start3A_618] : memref<7x128x128xf32, #tpu.memory_space<vmem>> -> memref<1x128x128xf32, #tpu.memory_space<vmem>>
    %dma_start3A_620 = tpu.memref_squeeze %dma_start3A_619 : memref<1x128x128xf32, #tpu.memory_space<vmem>> -> memref<128x128xf32, #tpu.memory_space<vmem>>
    %dma_start3A_621 = arith.constant 0 : i32
    %dma_start3A_622 = tpu.memref_slice %arg9[%add3A_614, %dma_start3A_621] : memref<16384x128xf32, #tpu.memory_space<hbm>> -> memref<128x128xf32, #tpu.memory_space<hbm>>
    %dma_start3A_623 = tpu.memref_slice %arg15[%dma_start3A_616] : memref<7x!tpu.dma_semaphore, #tpu.memory_space<semaphore_mem>> -> memref<1x!tpu.dma_semaphore, #tpu.memory_space<semaphore_mem>>
    %dma_start3A_624 = tpu.memref_squeeze %dma_start3A_623 : memref<1x!tpu.dma_semaphore, #tpu.memory_space<semaphore_mem>> -> memref<!tpu.dma_semaphore, #tpu.memory_space<semaphore_mem>>
    %dma_start3A_625 = arith.constant 0 : i32
    %dma_start3A_626 = tpu.memref_slice %arg9[%add3A_614, %dma_start3A_625] : memref<16384x128xf32, #tpu.memory_space<hbm>> -> memref<128x128xf32, #tpu.memory_space<hbm>>
    %dma_start3A_627 = arith.constant 0 : i32
    %dma_start3A_628 = arith.constant 0 : i32
    %dma_start3A_629 = tpu.memref_slice %arg12[%dma_start3A_615, %dma_start3A_627, %dma_start3A_628] : memref<7x128x128xf32, #tpu.memory_space<vmem>> -> memref<1x128x128xf32, #tpu.memory_space<vmem>>
    %dma_start3A_630 = tpu.memref_squeeze %dma_start3A_629 : memref<1x128x128xf32, #tpu.memory_space<vmem>> -> memref<128x128xf32, #tpu.memory_space<vmem>>
    tpu.enqueue_dma source(%dma_start3A_630 : memref<128x128xf32, #tpu.memory_space<vmem>>) target(%dma_start3A_626 : memref<128x128xf32, #tpu.memory_space<hbm>>) target_semaphore(%dma_start3A_624 : memref<!tpu.dma_semaphore, #tpu.memory_space<semaphore_mem>>)
    %dma_wait3A_631 = arith.constant 1 : i32
    %dma_wait3A_632 = arith.constant 3 : i32
    %dma_wait3A_633 = arith.constant 0 : i32
    %dma_wait3A_634 = arith.constant 0 : i32
    %dma_wait3A_635 = arith.constant 0 : i32
    %dma_wait3A_636 = arith.constant 0 : i32
    %dma_wait3A_637 = tpu.memref_slice %arg12[%dma_wait3A_633, %dma_wait3A_635, %dma_wait3A_636] : memref<7x128x128xf32, #tpu.memory_space<vmem>> -> memref<1x128x128xf32, #tpu.memory_space<vmem>>
    %dma_wait3A_638 = tpu.memref_squeeze %dma_wait3A_637 : memref<1x128x128xf32, #tpu.memory_space<vmem>> -> memref<128x128xf32, #tpu.memory_space<vmem>>
    %dma_wait3A_639 = arith.constant 0 : i32
    %dma_wait3A_640 = tpu.memref_slice %arg11[%dma_wait3A_631, %dma_wait3A_632, %dma_wait3A_639] : memref<3x4x128xi32, #tpu.memory_space<vmem>> -> memref<1x1x128xi32, #tpu.memory_space<vmem>>
    %dma_wait3A_641 = tpu.memref_squeeze %dma_wait3A_640 : memref<1x1x128xi32, #tpu.memory_space<vmem>> -> memref<128xi32, #tpu.memory_space<vmem>>
    %dma_wait3A_642 = arith.constant 0 : i32
    %dma_wait3A_643 = arith.constant 0 : i32
    %dma_wait3A_644 = tpu.memref_slice %arg6[%dma_wait3A_642, %dma_wait3A_643] : memref<100000x128xf32, #tpu.memory_space<hbm>> -> memref<100000x128xf32, #tpu.memory_space<hbm>>
    %dma_wait3A_645 = tpu.memref_slice %arg14[%dma_wait3A_634] : memref<7x!tpu.dma_semaphore, #tpu.memory_space<semaphore_mem>> -> memref<1x!tpu.dma_semaphore, #tpu.memory_space<semaphore_mem>>
    %dma_wait3A_646 = tpu.memref_squeeze %dma_wait3A_645 : memref<1x!tpu.dma_semaphore, #tpu.memory_space<semaphore_mem>> -> memref<!tpu.dma_semaphore, #tpu.memory_space<semaphore_mem>>
    tpu.wait_indirect_dma semaphore(%dma_wait3A_646 : memref<!tpu.dma_semaphore, #tpu.memory_space<semaphore_mem>>) src(%dma_wait3A_644 : memref<100000x128xf32, #tpu.memory_space<hbm>>) dst(%dma_wait3A_638 : memref<128x128xf32, #tpu.memory_space<vmem>>)
    %add3A_647 = arith.constant 384 : i32
    %add3A_648 = arith.addi %mul3A_2, %add3A_647 : i32
    %dma_start3A_649 = arith.constant 0 : i32
    %dma_start3A_650 = arith.constant 0 : i32
    %dma_start3A_651 = arith.constant 0 : i32
    %dma_start3A_652 = arith.constant 0 : i32
    %dma_start3A_653 = tpu.memref_slice %arg12[%dma_start3A_649, %dma_start3A_651, %dma_start3A_652] : memref<7x128x128xf32, #tpu.memory_space<vmem>> -> memref<1x128x128xf32, #tpu.memory_space<vmem>>
    %dma_start3A_654 = tpu.memref_squeeze %dma_start3A_653 : memref<1x128x128xf32, #tpu.memory_space<vmem>> -> memref<128x128xf32, #tpu.memory_space<vmem>>
    %dma_start3A_655 = arith.constant 0 : i32
    %dma_start3A_656 = tpu.memref_slice %arg9[%add3A_648, %dma_start3A_655] : memref<16384x128xf32, #tpu.memory_space<hbm>> -> memref<128x128xf32, #tpu.memory_space<hbm>>
    %dma_start3A_657 = tpu.memref_slice %arg15[%dma_start3A_650] : memref<7x!tpu.dma_semaphore, #tpu.memory_space<semaphore_mem>> -> memref<1x!tpu.dma_semaphore, #tpu.memory_space<semaphore_mem>>
    %dma_start3A_658 = tpu.memref_squeeze %dma_start3A_657 : memref<1x!tpu.dma_semaphore, #tpu.memory_space<semaphore_mem>> -> memref<!tpu.dma_semaphore, #tpu.memory_space<semaphore_mem>>
    %dma_start3A_659 = arith.constant 0 : i32
    %dma_start3A_660 = tpu.memref_slice %arg9[%add3A_648, %dma_start3A_659] : memref<16384x128xf32, #tpu.memory_space<hbm>> -> memref<128x128xf32, #tpu.memory_space<hbm>>
    %dma_start3A_661 = arith.constant 0 : i32
    %dma_start3A_662 = arith.constant 0 : i32
    %dma_start3A_663 = tpu.memref_slice %arg12[%dma_start3A_649, %dma_start3A_661, %dma_start3A_662] : memref<7x128x128xf32, #tpu.memory_space<vmem>> -> memref<1x128x128xf32, #tpu.memory_space<vmem>>
    %dma_start3A_664 = tpu.memref_squeeze %dma_start3A_663 : memref<1x128x128xf32, #tpu.memory_space<vmem>> -> memref<128x128xf32, #tpu.memory_space<vmem>>
    tpu.enqueue_dma source(%dma_start3A_664 : memref<128x128xf32, #tpu.memory_space<vmem>>) target(%dma_start3A_660 : memref<128x128xf32, #tpu.memory_space<hbm>>) target_semaphore(%dma_start3A_658 : memref<!tpu.dma_semaphore, #tpu.memory_space<semaphore_mem>>)
    %dma_wait3A_665 = arith.constant 2 : i32
    %dma_wait3A_666 = arith.constant 0 : i32
    %dma_wait3A_667 = arith.constant 1 : i32
    %dma_wait3A_668 = arith.constant 1 : i32
    %dma_wait3A_669 = arith.constant 0 : i32
    %dma_wait3A_670 = arith.constant 0 : i32
    %dma_wait3A_671 = tpu.memref_slice %arg12[%dma_wait3A_667, %dma_wait3A_669, %dma_wait3A_670] : memref<7x128x128xf32, #tpu.memory_space<vmem>> -> memref<1x128x128xf32, #tpu.memory_space<vmem>>
    %dma_wait3A_672 = tpu.memref_squeeze %dma_wait3A_671 : memref<1x128x128xf32, #tpu.memory_space<vmem>> -> memref<128x128xf32, #tpu.memory_space<vmem>>
    %dma_wait3A_673 = arith.constant 0 : i32
    %dma_wait3A_674 = tpu.memref_slice %arg11[%dma_wait3A_665, %dma_wait3A_666, %dma_wait3A_673] : memref<3x4x128xi32, #tpu.memory_space<vmem>> -> memref<1x1x128xi32, #tpu.memory_space<vmem>>
    %dma_wait3A_675 = tpu.memref_squeeze %dma_wait3A_674 : memref<1x1x128xi32, #tpu.memory_space<vmem>> -> memref<128xi32, #tpu.memory_space<vmem>>
    %dma_wait3A_676 = arith.constant 0 : i32
    %dma_wait3A_677 = arith.constant 0 : i32
    %dma_wait3A_678 = tpu.memref_slice %arg7[%dma_wait3A_676, %dma_wait3A_677] : memref<100000x128xf32, #tpu.memory_space<hbm>> -> memref<100000x128xf32, #tpu.memory_space<hbm>>
    %dma_wait3A_679 = tpu.memref_slice %arg14[%dma_wait3A_668] : memref<7x!tpu.dma_semaphore, #tpu.memory_space<semaphore_mem>> -> memref<1x!tpu.dma_semaphore, #tpu.memory_space<semaphore_mem>>
    %dma_wait3A_680 = tpu.memref_squeeze %dma_wait3A_679 : memref<1x!tpu.dma_semaphore, #tpu.memory_space<semaphore_mem>> -> memref<!tpu.dma_semaphore, #tpu.memory_space<semaphore_mem>>
    tpu.wait_indirect_dma semaphore(%dma_wait3A_680 : memref<!tpu.dma_semaphore, #tpu.memory_space<semaphore_mem>>) src(%dma_wait3A_678 : memref<100000x128xf32, #tpu.memory_space<hbm>>) dst(%dma_wait3A_672 : memref<128x128xf32, #tpu.memory_space<vmem>>)
    %add3A_681 = arith.constant 0 : i32
    %add3A_682 = arith.addi %mul3A_2, %add3A_681 : i32
    %dma_start3A_683 = arith.constant 1 : i32
    %dma_start3A_684 = arith.constant 1 : i32
    %dma_start3A_685 = arith.constant 0 : i32
    %dma_start3A_686 = arith.constant 0 : i32
    %dma_start3A_687 = tpu.memref_slice %arg12[%dma_start3A_683, %dma_start3A_685, %dma_start3A_686] : memref<7x128x128xf32, #tpu.memory_space<vmem>> -> memref<1x128x128xf32, #tpu.memory_space<vmem>>
    %dma_start3A_688 = tpu.memref_squeeze %dma_start3A_687 : memref<1x128x128xf32, #tpu.memory_space<vmem>> -> memref<128x128xf32, #tpu.memory_space<vmem>>
    %dma_start3A_689 = arith.constant 0 : i32
    %dma_start3A_690 = tpu.memref_slice %arg10[%add3A_682, %dma_start3A_689] : memref<16384x128xf32, #tpu.memory_space<hbm>> -> memref<128x128xf32, #tpu.memory_space<hbm>>
    %dma_start3A_691 = tpu.memref_slice %arg15[%dma_start3A_684] : memref<7x!tpu.dma_semaphore, #tpu.memory_space<semaphore_mem>> -> memref<1x!tpu.dma_semaphore, #tpu.memory_space<semaphore_mem>>
    %dma_start3A_692 = tpu.memref_squeeze %dma_start3A_691 : memref<1x!tpu.dma_semaphore, #tpu.memory_space<semaphore_mem>> -> memref<!tpu.dma_semaphore, #tpu.memory_space<semaphore_mem>>
    %dma_start3A_693 = arith.constant 0 : i32
    %dma_start3A_694 = tpu.memref_slice %arg10[%add3A_682, %dma_start3A_693] : memref<16384x128xf32, #tpu.memory_space<hbm>> -> memref<128x128xf32, #tpu.memory_space<hbm>>
    %dma_start3A_695 = arith.constant 0 : i32
    %dma_start3A_696 = arith.constant 0 : i32
    %dma_start3A_697 = tpu.memref_slice %arg12[%dma_start3A_683, %dma_start3A_695, %dma_start3A_696] : memref<7x128x128xf32, #tpu.memory_space<vmem>> -> memref<1x128x128xf32, #tpu.memory_space<vmem>>
    %dma_start3A_698 = tpu.memref_squeeze %dma_start3A_697 : memref<1x128x128xf32, #tpu.memory_space<vmem>> -> memref<128x128xf32, #tpu.memory_space<vmem>>
    tpu.enqueue_dma source(%dma_start3A_698 : memref<128x128xf32, #tpu.memory_space<vmem>>) target(%dma_start3A_694 : memref<128x128xf32, #tpu.memory_space<hbm>>) target_semaphore(%dma_start3A_692 : memref<!tpu.dma_semaphore, #tpu.memory_space<semaphore_mem>>)
    %dma_wait3A_699 = arith.constant 2 : i32
    %dma_wait3A_700 = arith.constant 1 : i32
    %dma_wait3A_701 = arith.constant 2 : i32
    %dma_wait3A_702 = arith.constant 2 : i32
    %dma_wait3A_703 = arith.constant 0 : i32
    %dma_wait3A_704 = arith.constant 0 : i32
    %dma_wait3A_705 = tpu.memref_slice %arg12[%dma_wait3A_701, %dma_wait3A_703, %dma_wait3A_704] : memref<7x128x128xf32, #tpu.memory_space<vmem>> -> memref<1x128x128xf32, #tpu.memory_space<vmem>>
    %dma_wait3A_706 = tpu.memref_squeeze %dma_wait3A_705 : memref<1x128x128xf32, #tpu.memory_space<vmem>> -> memref<128x128xf32, #tpu.memory_space<vmem>>
    %dma_wait3A_707 = arith.constant 0 : i32
    %dma_wait3A_708 = tpu.memref_slice %arg11[%dma_wait3A_699, %dma_wait3A_700, %dma_wait3A_707] : memref<3x4x128xi32, #tpu.memory_space<vmem>> -> memref<1x1x128xi32, #tpu.memory_space<vmem>>
    %dma_wait3A_709 = tpu.memref_squeeze %dma_wait3A_708 : memref<1x1x128xi32, #tpu.memory_space<vmem>> -> memref<128xi32, #tpu.memory_space<vmem>>
    %dma_wait3A_710 = arith.constant 0 : i32
    %dma_wait3A_711 = arith.constant 0 : i32
    %dma_wait3A_712 = tpu.memref_slice %arg7[%dma_wait3A_710, %dma_wait3A_711] : memref<100000x128xf32, #tpu.memory_space<hbm>> -> memref<100000x128xf32, #tpu.memory_space<hbm>>
    %dma_wait3A_713 = tpu.memref_slice %arg14[%dma_wait3A_702] : memref<7x!tpu.dma_semaphore, #tpu.memory_space<semaphore_mem>> -> memref<1x!tpu.dma_semaphore, #tpu.memory_space<semaphore_mem>>
    %dma_wait3A_714 = tpu.memref_squeeze %dma_wait3A_713 : memref<1x!tpu.dma_semaphore, #tpu.memory_space<semaphore_mem>> -> memref<!tpu.dma_semaphore, #tpu.memory_space<semaphore_mem>>
    tpu.wait_indirect_dma semaphore(%dma_wait3A_714 : memref<!tpu.dma_semaphore, #tpu.memory_space<semaphore_mem>>) src(%dma_wait3A_712 : memref<100000x128xf32, #tpu.memory_space<hbm>>) dst(%dma_wait3A_706 : memref<128x128xf32, #tpu.memory_space<vmem>>)
    %add3A_715 = arith.constant 128 : i32
    %add3A_716 = arith.addi %mul3A_2, %add3A_715 : i32
    %dma_start3A_717 = arith.constant 2 : i32
    %dma_start3A_718 = arith.constant 2 : i32
    %dma_start3A_719 = arith.constant 0 : i32
    %dma_start3A_720 = arith.constant 0 : i32
    %dma_start3A_721 = tpu.memref_slice %arg12[%dma_start3A_717, %dma_start3A_719, %dma_start3A_720] : memref<7x128x128xf32, #tpu.memory_space<vmem>> -> memref<1x128x128xf32, #tpu.memory_space<vmem>>
    %dma_start3A_722 = tpu.memref_squeeze %dma_start3A_721 : memref<1x128x128xf32, #tpu.memory_space<vmem>> -> memref<128x128xf32, #tpu.memory_space<vmem>>
    %dma_start3A_723 = arith.constant 0 : i32
    %dma_start3A_724 = tpu.memref_slice %arg10[%add3A_716, %dma_start3A_723] : memref<16384x128xf32, #tpu.memory_space<hbm>> -> memref<128x128xf32, #tpu.memory_space<hbm>>
    %dma_start3A_725 = tpu.memref_slice %arg15[%dma_start3A_718] : memref<7x!tpu.dma_semaphore, #tpu.memory_space<semaphore_mem>> -> memref<1x!tpu.dma_semaphore, #tpu.memory_space<semaphore_mem>>
    %dma_start3A_726 = tpu.memref_squeeze %dma_start3A_725 : memref<1x!tpu.dma_semaphore, #tpu.memory_space<semaphore_mem>> -> memref<!tpu.dma_semaphore, #tpu.memory_space<semaphore_mem>>
    %dma_start3A_727 = arith.constant 0 : i32
    %dma_start3A_728 = tpu.memref_slice %arg10[%add3A_716, %dma_start3A_727] : memref<16384x128xf32, #tpu.memory_space<hbm>> -> memref<128x128xf32, #tpu.memory_space<hbm>>
    %dma_start3A_729 = arith.constant 0 : i32
    %dma_start3A_730 = arith.constant 0 : i32
    %dma_start3A_731 = tpu.memref_slice %arg12[%dma_start3A_717, %dma_start3A_729, %dma_start3A_730] : memref<7x128x128xf32, #tpu.memory_space<vmem>> -> memref<1x128x128xf32, #tpu.memory_space<vmem>>
    %dma_start3A_732 = tpu.memref_squeeze %dma_start3A_731 : memref<1x128x128xf32, #tpu.memory_space<vmem>> -> memref<128x128xf32, #tpu.memory_space<vmem>>
    tpu.enqueue_dma source(%dma_start3A_732 : memref<128x128xf32, #tpu.memory_space<vmem>>) target(%dma_start3A_728 : memref<128x128xf32, #tpu.memory_space<hbm>>) target_semaphore(%dma_start3A_726 : memref<!tpu.dma_semaphore, #tpu.memory_space<semaphore_mem>>)
    %dma_wait3A_733 = arith.constant 2 : i32
    %dma_wait3A_734 = arith.constant 2 : i32
    %dma_wait3A_735 = arith.constant 3 : i32
    %dma_wait3A_736 = arith.constant 3 : i32
    %dma_wait3A_737 = arith.constant 0 : i32
    %dma_wait3A_738 = arith.constant 0 : i32
    %dma_wait3A_739 = tpu.memref_slice %arg12[%dma_wait3A_735, %dma_wait3A_737, %dma_wait3A_738] : memref<7x128x128xf32, #tpu.memory_space<vmem>> -> memref<1x128x128xf32, #tpu.memory_space<vmem>>
    %dma_wait3A_740 = tpu.memref_squeeze %dma_wait3A_739 : memref<1x128x128xf32, #tpu.memory_space<vmem>> -> memref<128x128xf32, #tpu.memory_space<vmem>>
    %dma_wait3A_741 = arith.constant 0 : i32
    %dma_wait3A_742 = tpu.memref_slice %arg11[%dma_wait3A_733, %dma_wait3A_734, %dma_wait3A_741] : memref<3x4x128xi32, #tpu.memory_space<vmem>> -> memref<1x1x128xi32, #tpu.memory_space<vmem>>
    %dma_wait3A_743 = tpu.memref_squeeze %dma_wait3A_742 : memref<1x1x128xi32, #tpu.memory_space<vmem>> -> memref<128xi32, #tpu.memory_space<vmem>>
    %dma_wait3A_744 = arith.constant 0 : i32
    %dma_wait3A_745 = arith.constant 0 : i32
    %dma_wait3A_746 = tpu.memref_slice %arg7[%dma_wait3A_744, %dma_wait3A_745] : memref<100000x128xf32, #tpu.memory_space<hbm>> -> memref<100000x128xf32, #tpu.memory_space<hbm>>
    %dma_wait3A_747 = tpu.memref_slice %arg14[%dma_wait3A_736] : memref<7x!tpu.dma_semaphore, #tpu.memory_space<semaphore_mem>> -> memref<1x!tpu.dma_semaphore, #tpu.memory_space<semaphore_mem>>
    %dma_wait3A_748 = tpu.memref_squeeze %dma_wait3A_747 : memref<1x!tpu.dma_semaphore, #tpu.memory_space<semaphore_mem>> -> memref<!tpu.dma_semaphore, #tpu.memory_space<semaphore_mem>>
    tpu.wait_indirect_dma semaphore(%dma_wait3A_748 : memref<!tpu.dma_semaphore, #tpu.memory_space<semaphore_mem>>) src(%dma_wait3A_746 : memref<100000x128xf32, #tpu.memory_space<hbm>>) dst(%dma_wait3A_740 : memref<128x128xf32, #tpu.memory_space<vmem>>)
    %add3A_749 = arith.constant 256 : i32
    %add3A_750 = arith.addi %mul3A_2, %add3A_749 : i32
    %dma_start3A_751 = arith.constant 3 : i32
    %dma_start3A_752 = arith.constant 3 : i32
    %dma_start3A_753 = arith.constant 0 : i32
    %dma_start3A_754 = arith.constant 0 : i32
    %dma_start3A_755 = tpu.memref_slice %arg12[%dma_start3A_751, %dma_start3A_753, %dma_start3A_754] : memref<7x128x128xf32, #tpu.memory_space<vmem>> -> memref<1x128x128xf32, #tpu.memory_space<vmem>>
    %dma_start3A_756 = tpu.memref_squeeze %dma_start3A_755 : memref<1x128x128xf32, #tpu.memory_space<vmem>> -> memref<128x128xf32, #tpu.memory_space<vmem>>
    %dma_start3A_757 = arith.constant 0 : i32
    %dma_start3A_758 = tpu.memref_slice %arg10[%add3A_750, %dma_start3A_757] : memref<16384x128xf32, #tpu.memory_space<hbm>> -> memref<128x128xf32, #tpu.memory_space<hbm>>
    %dma_start3A_759 = tpu.memref_slice %arg15[%dma_start3A_752] : memref<7x!tpu.dma_semaphore, #tpu.memory_space<semaphore_mem>> -> memref<1x!tpu.dma_semaphore, #tpu.memory_space<semaphore_mem>>
    %dma_start3A_760 = tpu.memref_squeeze %dma_start3A_759 : memref<1x!tpu.dma_semaphore, #tpu.memory_space<semaphore_mem>> -> memref<!tpu.dma_semaphore, #tpu.memory_space<semaphore_mem>>
    %dma_start3A_761 = arith.constant 0 : i32
    %dma_start3A_762 = tpu.memref_slice %arg10[%add3A_750, %dma_start3A_761] : memref<16384x128xf32, #tpu.memory_space<hbm>> -> memref<128x128xf32, #tpu.memory_space<hbm>>
    %dma_start3A_763 = arith.constant 0 : i32
    %dma_start3A_764 = arith.constant 0 : i32
    %dma_start3A_765 = tpu.memref_slice %arg12[%dma_start3A_751, %dma_start3A_763, %dma_start3A_764] : memref<7x128x128xf32, #tpu.memory_space<vmem>> -> memref<1x128x128xf32, #tpu.memory_space<vmem>>
    %dma_start3A_766 = tpu.memref_squeeze %dma_start3A_765 : memref<1x128x128xf32, #tpu.memory_space<vmem>> -> memref<128x128xf32, #tpu.memory_space<vmem>>
    tpu.enqueue_dma source(%dma_start3A_766 : memref<128x128xf32, #tpu.memory_space<vmem>>) target(%dma_start3A_762 : memref<128x128xf32, #tpu.memory_space<hbm>>) target_semaphore(%dma_start3A_760 : memref<!tpu.dma_semaphore, #tpu.memory_space<semaphore_mem>>)
    %dma_wait3A_767 = arith.constant 2 : i32
    %dma_wait3A_768 = arith.constant 3 : i32
    %dma_wait3A_769 = arith.constant 4 : i32
    %dma_wait3A_770 = arith.constant 4 : i32
    %dma_wait3A_771 = arith.constant 0 : i32
    %dma_wait3A_772 = arith.constant 0 : i32
    %dma_wait3A_773 = tpu.memref_slice %arg12[%dma_wait3A_769, %dma_wait3A_771, %dma_wait3A_772] : memref<7x128x128xf32, #tpu.memory_space<vmem>> -> memref<1x128x128xf32, #tpu.memory_space<vmem>>
    %dma_wait3A_774 = tpu.memref_squeeze %dma_wait3A_773 : memref<1x128x128xf32, #tpu.memory_space<vmem>> -> memref<128x128xf32, #tpu.memory_space<vmem>>
    %dma_wait3A_775 = arith.constant 0 : i32
    %dma_wait3A_776 = tpu.memref_slice %arg11[%dma_wait3A_767, %dma_wait3A_768, %dma_wait3A_775] : memref<3x4x128xi32, #tpu.memory_space<vmem>> -> memref<1x1x128xi32, #tpu.memory_space<vmem>>
    %dma_wait3A_777 = tpu.memref_squeeze %dma_wait3A_776 : memref<1x1x128xi32, #tpu.memory_space<vmem>> -> memref<128xi32, #tpu.memory_space<vmem>>
    %dma_wait3A_778 = arith.constant 0 : i32
    %dma_wait3A_779 = arith.constant 0 : i32
    %dma_wait3A_780 = tpu.memref_slice %arg7[%dma_wait3A_778, %dma_wait3A_779] : memref<100000x128xf32, #tpu.memory_space<hbm>> -> memref<100000x128xf32, #tpu.memory_space<hbm>>
    %dma_wait3A_781 = tpu.memref_slice %arg14[%dma_wait3A_770] : memref<7x!tpu.dma_semaphore, #tpu.memory_space<semaphore_mem>> -> memref<1x!tpu.dma_semaphore, #tpu.memory_space<semaphore_mem>>
    %dma_wait3A_782 = tpu.memref_squeeze %dma_wait3A_781 : memref<1x!tpu.dma_semaphore, #tpu.memory_space<semaphore_mem>> -> memref<!tpu.dma_semaphore, #tpu.memory_space<semaphore_mem>>
    tpu.wait_indirect_dma semaphore(%dma_wait3A_782 : memref<!tpu.dma_semaphore, #tpu.memory_space<semaphore_mem>>) src(%dma_wait3A_780 : memref<100000x128xf32, #tpu.memory_space<hbm>>) dst(%dma_wait3A_774 : memref<128x128xf32, #tpu.memory_space<vmem>>)
    %add3A_783 = arith.constant 384 : i32
    %add3A_784 = arith.addi %mul3A_2, %add3A_783 : i32
    %dma_start3A_785 = arith.constant 4 : i32
    %dma_start3A_786 = arith.constant 4 : i32
    %dma_start3A_787 = arith.constant 0 : i32
    %dma_start3A_788 = arith.constant 0 : i32
    %dma_start3A_789 = tpu.memref_slice %arg12[%dma_start3A_785, %dma_start3A_787, %dma_start3A_788] : memref<7x128x128xf32, #tpu.memory_space<vmem>> -> memref<1x128x128xf32, #tpu.memory_space<vmem>>
    %dma_start3A_790 = tpu.memref_squeeze %dma_start3A_789 : memref<1x128x128xf32, #tpu.memory_space<vmem>> -> memref<128x128xf32, #tpu.memory_space<vmem>>
    %dma_start3A_791 = arith.constant 0 : i32
    %dma_start3A_792 = tpu.memref_slice %arg10[%add3A_784, %dma_start3A_791] : memref<16384x128xf32, #tpu.memory_space<hbm>> -> memref<128x128xf32, #tpu.memory_space<hbm>>
    %dma_start3A_793 = tpu.memref_slice %arg15[%dma_start3A_786] : memref<7x!tpu.dma_semaphore, #tpu.memory_space<semaphore_mem>> -> memref<1x!tpu.dma_semaphore, #tpu.memory_space<semaphore_mem>>
    %dma_start3A_794 = tpu.memref_squeeze %dma_start3A_793 : memref<1x!tpu.dma_semaphore, #tpu.memory_space<semaphore_mem>> -> memref<!tpu.dma_semaphore, #tpu.memory_space<semaphore_mem>>
    %dma_start3A_795 = arith.constant 0 : i32
    %dma_start3A_796 = tpu.memref_slice %arg10[%add3A_784, %dma_start3A_795] : memref<16384x128xf32, #tpu.memory_space<hbm>> -> memref<128x128xf32, #tpu.memory_space<hbm>>
    %dma_start3A_797 = arith.constant 0 : i32
    %dma_start3A_798 = arith.constant 0 : i32
    %dma_start3A_799 = tpu.memref_slice %arg12[%dma_start3A_785, %dma_start3A_797, %dma_start3A_798] : memref<7x128x128xf32, #tpu.memory_space<vmem>> -> memref<1x128x128xf32, #tpu.memory_space<vmem>>
    %dma_start3A_800 = tpu.memref_squeeze %dma_start3A_799 : memref<1x128x128xf32, #tpu.memory_space<vmem>> -> memref<128x128xf32, #tpu.memory_space<vmem>>
    tpu.enqueue_dma source(%dma_start3A_800 : memref<128x128xf32, #tpu.memory_space<vmem>>) target(%dma_start3A_796 : memref<128x128xf32, #tpu.memory_space<hbm>>) target_semaphore(%dma_start3A_794 : memref<!tpu.dma_semaphore, #tpu.memory_space<semaphore_mem>>)
    %dma_wait3A_801 = arith.constant 5 : i32
    %dma_wait3A_802 = arith.constant 5 : i32
    %dma_wait3A_803 = arith.constant 0 : i32
    %dma_wait3A_804 = arith.constant 0 : i32
    %dma_wait3A_805 = tpu.memref_slice %arg12[%dma_wait3A_801, %dma_wait3A_803, %dma_wait3A_804] : memref<7x128x128xf32, #tpu.memory_space<vmem>> -> memref<1x128x128xf32, #tpu.memory_space<vmem>>
    %dma_wait3A_806 = tpu.memref_squeeze %dma_wait3A_805 : memref<1x128x128xf32, #tpu.memory_space<vmem>> -> memref<128x128xf32, #tpu.memory_space<vmem>>
    %dma_wait3A_807 = arith.constant 0 : i32
    %dma_wait3A_808 = tpu.memref_slice %arg9[%add3A_548, %dma_wait3A_807] : memref<16384x128xf32, #tpu.memory_space<hbm>> -> memref<128x128xf32, #tpu.memory_space<hbm>>
    %dma_wait3A_809 = tpu.memref_slice %arg15[%dma_wait3A_802] : memref<7x!tpu.dma_semaphore, #tpu.memory_space<semaphore_mem>> -> memref<1x!tpu.dma_semaphore, #tpu.memory_space<semaphore_mem>>
    %dma_wait3A_810 = tpu.memref_squeeze %dma_wait3A_809 : memref<1x!tpu.dma_semaphore, #tpu.memory_space<semaphore_mem>> -> memref<!tpu.dma_semaphore, #tpu.memory_space<semaphore_mem>>
    %dma_wait3A_811 = arith.constant 0 : i32
    %dma_wait3A_812 = tpu.memref_slice %arg9[%add3A_548, %dma_wait3A_811] : memref<16384x128xf32, #tpu.memory_space<hbm>> -> memref<128x128xf32, #tpu.memory_space<hbm>>
    %dma_wait3A_813 = arith.constant 0 : i32
    %dma_wait3A_814 = arith.constant 0 : i32
    %dma_wait3A_815 = tpu.memref_slice %arg12[%dma_wait3A_801, %dma_wait3A_813, %dma_wait3A_814] : memref<7x128x128xf32, #tpu.memory_space<vmem>> -> memref<1x128x128xf32, #tpu.memory_space<vmem>>
    %dma_wait3A_816 = tpu.memref_squeeze %dma_wait3A_815 : memref<1x128x128xf32, #tpu.memory_space<vmem>> -> memref<128x128xf32, #tpu.memory_space<vmem>>
    tpu.wait_dma2 semaphore(%dma_wait3A_810 : memref<!tpu.dma_semaphore, #tpu.memory_space<semaphore_mem>>) src(%dma_wait3A_816 : memref<128x128xf32, #tpu.memory_space<vmem>>) dst(%dma_wait3A_812 : memref<128x128xf32, #tpu.memory_space<hbm>>)
    %dma_wait3A_817 = arith.constant 6 : i32
    %dma_wait3A_818 = arith.constant 6 : i32
    %dma_wait3A_819 = arith.constant 0 : i32
    %dma_wait3A_820 = arith.constant 0 : i32
    %dma_wait3A_821 = tpu.memref_slice %arg12[%dma_wait3A_817, %dma_wait3A_819, %dma_wait3A_820] : memref<7x128x128xf32, #tpu.memory_space<vmem>> -> memref<1x128x128xf32, #tpu.memory_space<vmem>>
    %dma_wait3A_822 = tpu.memref_squeeze %dma_wait3A_821 : memref<1x128x128xf32, #tpu.memory_space<vmem>> -> memref<128x128xf32, #tpu.memory_space<vmem>>
    %dma_wait3A_823 = arith.constant 0 : i32
    %dma_wait3A_824 = tpu.memref_slice %arg9[%add3A_614, %dma_wait3A_823] : memref<16384x128xf32, #tpu.memory_space<hbm>> -> memref<128x128xf32, #tpu.memory_space<hbm>>
    %dma_wait3A_825 = tpu.memref_slice %arg15[%dma_wait3A_818] : memref<7x!tpu.dma_semaphore, #tpu.memory_space<semaphore_mem>> -> memref<1x!tpu.dma_semaphore, #tpu.memory_space<semaphore_mem>>
    %dma_wait3A_826 = tpu.memref_squeeze %dma_wait3A_825 : memref<1x!tpu.dma_semaphore, #tpu.memory_space<semaphore_mem>> -> memref<!tpu.dma_semaphore, #tpu.memory_space<semaphore_mem>>
    %dma_wait3A_827 = arith.constant 0 : i32
    %dma_wait3A_828 = tpu.memref_slice %arg9[%add3A_614, %dma_wait3A_827] : memref<16384x128xf32, #tpu.memory_space<hbm>> -> memref<128x128xf32, #tpu.memory_space<hbm>>
    %dma_wait3A_829 = arith.constant 0 : i32
    %dma_wait3A_830 = arith.constant 0 : i32
    %dma_wait3A_831 = tpu.memref_slice %arg12[%dma_wait3A_817, %dma_wait3A_829, %dma_wait3A_830] : memref<7x128x128xf32, #tpu.memory_space<vmem>> -> memref<1x128x128xf32, #tpu.memory_space<vmem>>
    %dma_wait3A_832 = tpu.memref_squeeze %dma_wait3A_831 : memref<1x128x128xf32, #tpu.memory_space<vmem>> -> memref<128x128xf32, #tpu.memory_space<vmem>>
    tpu.wait_dma2 semaphore(%dma_wait3A_826 : memref<!tpu.dma_semaphore, #tpu.memory_space<semaphore_mem>>) src(%dma_wait3A_832 : memref<128x128xf32, #tpu.memory_space<vmem>>) dst(%dma_wait3A_828 : memref<128x128xf32, #tpu.memory_space<hbm>>)
    %dma_wait3A_833 = arith.constant 0 : i32
    %dma_wait3A_834 = arith.constant 0 : i32
    %dma_wait3A_835 = arith.constant 0 : i32
    %dma_wait3A_836 = arith.constant 0 : i32
    %dma_wait3A_837 = tpu.memref_slice %arg12[%dma_wait3A_833, %dma_wait3A_835, %dma_wait3A_836] : memref<7x128x128xf32, #tpu.memory_space<vmem>> -> memref<1x128x128xf32, #tpu.memory_space<vmem>>
    %dma_wait3A_838 = tpu.memref_squeeze %dma_wait3A_837 : memref<1x128x128xf32, #tpu.memory_space<vmem>> -> memref<128x128xf32, #tpu.memory_space<vmem>>
    %dma_wait3A_839 = arith.constant 0 : i32
    %dma_wait3A_840 = tpu.memref_slice %arg9[%add3A_648, %dma_wait3A_839] : memref<16384x128xf32, #tpu.memory_space<hbm>> -> memref<128x128xf32, #tpu.memory_space<hbm>>
    %dma_wait3A_841 = tpu.memref_slice %arg15[%dma_wait3A_834] : memref<7x!tpu.dma_semaphore, #tpu.memory_space<semaphore_mem>> -> memref<1x!tpu.dma_semaphore, #tpu.memory_space<semaphore_mem>>
    %dma_wait3A_842 = tpu.memref_squeeze %dma_wait3A_841 : memref<1x!tpu.dma_semaphore, #tpu.memory_space<semaphore_mem>> -> memref<!tpu.dma_semaphore, #tpu.memory_space<semaphore_mem>>
    %dma_wait3A_843 = arith.constant 0 : i32
    %dma_wait3A_844 = tpu.memref_slice %arg9[%add3A_648, %dma_wait3A_843] : memref<16384x128xf32, #tpu.memory_space<hbm>> -> memref<128x128xf32, #tpu.memory_space<hbm>>
    %dma_wait3A_845 = arith.constant 0 : i32
    %dma_wait3A_846 = arith.constant 0 : i32
    %dma_wait3A_847 = tpu.memref_slice %arg12[%dma_wait3A_833, %dma_wait3A_845, %dma_wait3A_846] : memref<7x128x128xf32, #tpu.memory_space<vmem>> -> memref<1x128x128xf32, #tpu.memory_space<vmem>>
    %dma_wait3A_848 = tpu.memref_squeeze %dma_wait3A_847 : memref<1x128x128xf32, #tpu.memory_space<vmem>> -> memref<128x128xf32, #tpu.memory_space<vmem>>
    tpu.wait_dma2 semaphore(%dma_wait3A_842 : memref<!tpu.dma_semaphore, #tpu.memory_space<semaphore_mem>>) src(%dma_wait3A_848 : memref<128x128xf32, #tpu.memory_space<vmem>>) dst(%dma_wait3A_844 : memref<128x128xf32, #tpu.memory_space<hbm>>)
    %dma_wait3A_849 = arith.constant 1 : i32
    %dma_wait3A_850 = arith.constant 1 : i32
    %dma_wait3A_851 = arith.constant 0 : i32
    %dma_wait3A_852 = arith.constant 0 : i32
    %dma_wait3A_853 = tpu.memref_slice %arg12[%dma_wait3A_849, %dma_wait3A_851, %dma_wait3A_852] : memref<7x128x128xf32, #tpu.memory_space<vmem>> -> memref<1x128x128xf32, #tpu.memory_space<vmem>>
    %dma_wait3A_854 = tpu.memref_squeeze %dma_wait3A_853 : memref<1x128x128xf32, #tpu.memory_space<vmem>> -> memref<128x128xf32, #tpu.memory_space<vmem>>
    %dma_wait3A_855 = arith.constant 0 : i32
    %dma_wait3A_856 = tpu.memref_slice %arg10[%add3A_682, %dma_wait3A_855] : memref<16384x128xf32, #tpu.memory_space<hbm>> -> memref<128x128xf32, #tpu.memory_space<hbm>>
    %dma_wait3A_857 = tpu.memref_slice %arg15[%dma_wait3A_850] : memref<7x!tpu.dma_semaphore, #tpu.memory_space<semaphore_mem>> -> memref<1x!tpu.dma_semaphore, #tpu.memory_space<semaphore_mem>>
    %dma_wait3A_858 = tpu.memref_squeeze %dma_wait3A_857 : memref<1x!tpu.dma_semaphore, #tpu.memory_space<semaphore_mem>> -> memref<!tpu.dma_semaphore, #tpu.memory_space<semaphore_mem>>
    %dma_wait3A_859 = arith.constant 0 : i32
    %dma_wait3A_860 = tpu.memref_slice %arg10[%add3A_682, %dma_wait3A_859] : memref<16384x128xf32, #tpu.memory_space<hbm>> -> memref<128x128xf32, #tpu.memory_space<hbm>>
    %dma_wait3A_861 = arith.constant 0 : i32
    %dma_wait3A_862 = arith.constant 0 : i32
    %dma_wait3A_863 = tpu.memref_slice %arg12[%dma_wait3A_849, %dma_wait3A_861, %dma_wait3A_862] : memref<7x128x128xf32, #tpu.memory_space<vmem>> -> memref<1x128x128xf32, #tpu.memory_space<vmem>>
    %dma_wait3A_864 = tpu.memref_squeeze %dma_wait3A_863 : memref<1x128x128xf32, #tpu.memory_space<vmem>> -> memref<128x128xf32, #tpu.memory_space<vmem>>
    tpu.wait_dma2 semaphore(%dma_wait3A_858 : memref<!tpu.dma_semaphore, #tpu.memory_space<semaphore_mem>>) src(%dma_wait3A_864 : memref<128x128xf32, #tpu.memory_space<vmem>>) dst(%dma_wait3A_860 : memref<128x128xf32, #tpu.memory_space<hbm>>)
    %dma_wait3A_865 = arith.constant 2 : i32
    %dma_wait3A_866 = arith.constant 2 : i32
    %dma_wait3A_867 = arith.constant 0 : i32
    %dma_wait3A_868 = arith.constant 0 : i32
    %dma_wait3A_869 = tpu.memref_slice %arg12[%dma_wait3A_865, %dma_wait3A_867, %dma_wait3A_868] : memref<7x128x128xf32, #tpu.memory_space<vmem>> -> memref<1x128x128xf32, #tpu.memory_space<vmem>>
    %dma_wait3A_870 = tpu.memref_squeeze %dma_wait3A_869 : memref<1x128x128xf32, #tpu.memory_space<vmem>> -> memref<128x128xf32, #tpu.memory_space<vmem>>
    %dma_wait3A_871 = arith.constant 0 : i32
    %dma_wait3A_872 = tpu.memref_slice %arg10[%add3A_716, %dma_wait3A_871] : memref<16384x128xf32, #tpu.memory_space<hbm>> -> memref<128x128xf32, #tpu.memory_space<hbm>>
    %dma_wait3A_873 = tpu.memref_slice %arg15[%dma_wait3A_866] : memref<7x!tpu.dma_semaphore, #tpu.memory_space<semaphore_mem>> -> memref<1x!tpu.dma_semaphore, #tpu.memory_space<semaphore_mem>>
    %dma_wait3A_874 = tpu.memref_squeeze %dma_wait3A_873 : memref<1x!tpu.dma_semaphore, #tpu.memory_space<semaphore_mem>> -> memref<!tpu.dma_semaphore, #tpu.memory_space<semaphore_mem>>
    %dma_wait3A_875 = arith.constant 0 : i32
    %dma_wait3A_876 = tpu.memref_slice %arg10[%add3A_716, %dma_wait3A_875] : memref<16384x128xf32, #tpu.memory_space<hbm>> -> memref<128x128xf32, #tpu.memory_space<hbm>>
    %dma_wait3A_877 = arith.constant 0 : i32
    %dma_wait3A_878 = arith.constant 0 : i32
    %dma_wait3A_879 = tpu.memref_slice %arg12[%dma_wait3A_865, %dma_wait3A_877, %dma_wait3A_878] : memref<7x128x128xf32, #tpu.memory_space<vmem>> -> memref<1x128x128xf32, #tpu.memory_space<vmem>>
    %dma_wait3A_880 = tpu.memref_squeeze %dma_wait3A_879 : memref<1x128x128xf32, #tpu.memory_space<vmem>> -> memref<128x128xf32, #tpu.memory_space<vmem>>
    tpu.wait_dma2 semaphore(%dma_wait3A_874 : memref<!tpu.dma_semaphore, #tpu.memory_space<semaphore_mem>>) src(%dma_wait3A_880 : memref<128x128xf32, #tpu.memory_space<vmem>>) dst(%dma_wait3A_876 : memref<128x128xf32, #tpu.memory_space<hbm>>)
    %dma_wait3A_881 = arith.constant 3 : i32
    %dma_wait3A_882 = arith.constant 3 : i32
    %dma_wait3A_883 = arith.constant 0 : i32
    %dma_wait3A_884 = arith.constant 0 : i32
    %dma_wait3A_885 = tpu.memref_slice %arg12[%dma_wait3A_881, %dma_wait3A_883, %dma_wait3A_884] : memref<7x128x128xf32, #tpu.memory_space<vmem>> -> memref<1x128x128xf32, #tpu.memory_space<vmem>>
    %dma_wait3A_886 = tpu.memref_squeeze %dma_wait3A_885 : memref<1x128x128xf32, #tpu.memory_space<vmem>> -> memref<128x128xf32, #tpu.memory_space<vmem>>
    %dma_wait3A_887 = arith.constant 0 : i32
    %dma_wait3A_888 = tpu.memref_slice %arg10[%add3A_750, %dma_wait3A_887] : memref<16384x128xf32, #tpu.memory_space<hbm>> -> memref<128x128xf32, #tpu.memory_space<hbm>>
    %dma_wait3A_889 = tpu.memref_slice %arg15[%dma_wait3A_882] : memref<7x!tpu.dma_semaphore, #tpu.memory_space<semaphore_mem>> -> memref<1x!tpu.dma_semaphore, #tpu.memory_space<semaphore_mem>>
    %dma_wait3A_890 = tpu.memref_squeeze %dma_wait3A_889 : memref<1x!tpu.dma_semaphore, #tpu.memory_space<semaphore_mem>> -> memref<!tpu.dma_semaphore, #tpu.memory_space<semaphore_mem>>
    %dma_wait3A_891 = arith.constant 0 : i32
    %dma_wait3A_892 = tpu.memref_slice %arg10[%add3A_750, %dma_wait3A_891] : memref<16384x128xf32, #tpu.memory_space<hbm>> -> memref<128x128xf32, #tpu.memory_space<hbm>>
    %dma_wait3A_893 = arith.constant 0 : i32
    %dma_wait3A_894 = arith.constant 0 : i32
    %dma_wait3A_895 = tpu.memref_slice %arg12[%dma_wait3A_881, %dma_wait3A_893, %dma_wait3A_894] : memref<7x128x128xf32, #tpu.memory_space<vmem>> -> memref<1x128x128xf32, #tpu.memory_space<vmem>>
    %dma_wait3A_896 = tpu.memref_squeeze %dma_wait3A_895 : memref<1x128x128xf32, #tpu.memory_space<vmem>> -> memref<128x128xf32, #tpu.memory_space<vmem>>
    tpu.wait_dma2 semaphore(%dma_wait3A_890 : memref<!tpu.dma_semaphore, #tpu.memory_space<semaphore_mem>>) src(%dma_wait3A_896 : memref<128x128xf32, #tpu.memory_space<vmem>>) dst(%dma_wait3A_892 : memref<128x128xf32, #tpu.memory_space<hbm>>)
    %dma_wait3A_897 = arith.constant 4 : i32
    %dma_wait3A_898 = arith.constant 4 : i32
    %dma_wait3A_899 = arith.constant 0 : i32
    %dma_wait3A_900 = arith.constant 0 : i32
    %dma_wait3A_901 = tpu.memref_slice %arg12[%dma_wait3A_897, %dma_wait3A_899, %dma_wait3A_900] : memref<7x128x128xf32, #tpu.memory_space<vmem>> -> memref<1x128x128xf32, #tpu.memory_space<vmem>>
    %dma_wait3A_902 = tpu.memref_squeeze %dma_wait3A_901 : memref<1x128x128xf32, #tpu.memory_space<vmem>> -> memref<128x128xf32, #tpu.memory_space<vmem>>
    %dma_wait3A_903 = arith.constant 0 : i32
    %dma_wait3A_904 = tpu.memref_slice %arg10[%add3A_784, %dma_wait3A_903] : memref<16384x128xf32, #tpu.memory_space<hbm>> -> memref<128x128xf32, #tpu.memory_space<hbm>>
    %dma_wait3A_905 = tpu.memref_slice %arg15[%dma_wait3A_898] : memref<7x!tpu.dma_semaphore, #tpu.memory_space<semaphore_mem>> -> memref<1x!tpu.dma_semaphore, #tpu.memory_space<semaphore_mem>>
    %dma_wait3A_906 = tpu.memref_squeeze %dma_wait3A_905 : memref<1x!tpu.dma_semaphore, #tpu.memory_space<semaphore_mem>> -> memref<!tpu.dma_semaphore, #tpu.memory_space<semaphore_mem>>
    %dma_wait3A_907 = arith.constant 0 : i32
    %dma_wait3A_908 = tpu.memref_slice %arg10[%add3A_784, %dma_wait3A_907] : memref<16384x128xf32, #tpu.memory_space<hbm>> -> memref<128x128xf32, #tpu.memory_space<hbm>>
    %dma_wait3A_909 = arith.constant 0 : i32
    %dma_wait3A_910 = arith.constant 0 : i32
    %dma_wait3A_911 = tpu.memref_slice %arg12[%dma_wait3A_897, %dma_wait3A_909, %dma_wait3A_910] : memref<7x128x128xf32, #tpu.memory_space<vmem>> -> memref<1x128x128xf32, #tpu.memory_space<vmem>>
    %dma_wait3A_912 = tpu.memref_squeeze %dma_wait3A_911 : memref<1x128x128xf32, #tpu.memory_space<vmem>> -> memref<128x128xf32, #tpu.memory_space<vmem>>
    tpu.wait_dma2 semaphore(%dma_wait3A_906 : memref<!tpu.dma_semaphore, #tpu.memory_space<semaphore_mem>>) src(%dma_wait3A_912 : memref<128x128xf32, #tpu.memory_space<vmem>>) dst(%dma_wait3A_908 : memref<128x128xf32, #tpu.memory_space<hbm>>)
    return
  }
}

module attributes {stable_mosaic.version = 14 : i64} {
  func.func @_pre_body(%arg0: i32, %arg1: memref<16x64xf32, #tpu.memory_space<vmem>>, %arg2: memref<400x64xf32, #tpu.memory_space<vmem>>, %arg3: memref<4x64xf32, #tpu.memory_space<vmem>>, %arg4: memref<64x64xf32, #tpu.memory_space<vmem>>, %arg5: memref<64x64xf32, #tpu.memory_space<vmem>>, %arg6: memref<64x64xf32, #tpu.memory_space<vmem>>, %arg7: memref<64x64xf32, #tpu.memory_space<vmem>>, %arg8: memref<64x64xf32, #tpu.memory_space<vmem>>, %arg9: memref<64x64xf32, #tpu.memory_space<vmem>>, %arg10: memref<1x64xf32, #tpu.memory_space<vmem>>, %arg11: memref<1x64xf32, #tpu.memory_space<vmem>>, %arg12: memref<1x64xf32, #tpu.memory_space<vmem>>, %arg13: memref<16x64xf32, #tpu.memory_space<vmem>>, %arg14: memref<400x64xf32, #tpu.memory_space<vmem>>, %arg15: memref<4x64xf32, #tpu.memory_space<vmem>>, %arg16: memref<64x64xf32, #tpu.memory_space<vmem>>, %arg17: memref<1x64xf32, #tpu.memory_space<vmem>>, %arg18: memref<1x64xf32, #tpu.memory_space<vmem>>) attributes {dimension_semantics = [#tpu.dimension_semantics<arbitrary>], iteration_bounds = array<i64: 1>, scalar_prefetch = 0 : i64, scratch_operands = 0 : i64, tpu.core_type = #tpu.core_type<tc>, window_params = [{pipeline_mode = #tpu.pipeline_mode<synchronous>, transform_indices = @transform_0, window_bounds = array<i64: 16, 64>}, {pipeline_mode = #tpu.pipeline_mode<synchronous>, transform_indices = @transform_1, window_bounds = array<i64: 400, 64>}, {pipeline_mode = #tpu.pipeline_mode<synchronous>, transform_indices = @transform_2, window_bounds = array<i64: 4, 64>}, {pipeline_mode = #tpu.pipeline_mode<synchronous>, transform_indices = @transform_3, window_bounds = array<i64: 64, 64>}, {transform_indices = @transform_4, window_bounds = array<i64: 64, 64>}, {transform_indices = @transform_5, window_bounds = array<i64: 64, 64>}, {transform_indices = @transform_6, window_bounds = array<i64: 64, 64>}, {transform_indices = @transform_7, window_bounds = array<i64: 64, 64>}, {transform_indices = @transform_8, window_bounds = array<i64: 64, 64>}, {pipeline_mode = #tpu.pipeline_mode<synchronous>, transform_indices = @transform_9, window_bounds = array<i64: 1, 64>}, {pipeline_mode = #tpu.pipeline_mode<synchronous>, transform_indices = @transform_10, window_bounds = array<i64: 1, 64>}, {pipeline_mode = #tpu.pipeline_mode<synchronous>, transform_indices = @transform_11, window_bounds = array<i64: 1, 64>}, {pipeline_mode = #tpu.pipeline_mode<synchronous>, transform_indices = @transform_12, window_bounds = array<i64: 16, 64>}, {pipeline_mode = #tpu.pipeline_mode<synchronous>, transform_indices = @transform_13, window_bounds = array<i64: 400, 64>}, {pipeline_mode = #tpu.pipeline_mode<synchronous>, transform_indices = @transform_14, window_bounds = array<i64: 4, 64>}, {pipeline_mode = #tpu.pipeline_mode<synchronous>, transform_indices = @transform_15, window_bounds = array<i64: 64, 64>}, {pipeline_mode = #tpu.pipeline_mode<synchronous>, transform_indices = @transform_16, window_bounds = array<i64: 1, 64>}, {pipeline_mode = #tpu.pipeline_mode<synchronous>, transform_indices = @transform_17, window_bounds = array<i64: 1, 64>}]} {
    %get3A = arith.constant 0 : index
    %get3A_0 = arith.constant 0 : index
    %get3A_1 = vector.load %arg1[%get3A, %get3A_0] : memref<16x64xf32, #tpu.memory_space<vmem>>, vector<16x64xf32>
    %get3A_2 = arith.constant 0 : index
    %get3A_3 = arith.constant 0 : index
    %get3A_4 = vector.load %arg5[%get3A_2, %get3A_3] : memref<64x64xf32, #tpu.memory_space<vmem>>, vector<64x64xf32>
    %dot_general3A = arith.constant dense<0.000000e+00> : vector<16x64xf32>
    %dot_general3A_5 = tpu.matmul %get3A_1, %get3A_4, %dot_general3A {dimension_numbers = #tpu.dot_dimension_numbers<[1], [0], [0], [1], [0, 0, 1, 1], [], []>, transpose_lhs_hint = false} : vector<16x64xf32>, vector<64x64xf32>, vector<16x64xf32> -> vector<16x64xf32>
    %swap3A = arith.constant 0 : index
    %swap3A_6 = arith.constant 0 : index
    %swap3A_7 = vector.load %arg13[%swap3A, %swap3A_6] : memref<16x64xf32, #tpu.memory_space<vmem>>, vector<16x64xf32>
    tpu.vector_store %arg13[%swap3A, %swap3A_6], %dot_general3A_5 {strides = array<i32>} : memref<16x64xf32, #tpu.memory_space<vmem>>, vector<16x64xf32>,
    %get3A_8 = arith.constant 0 : index
    %get3A_9 = arith.constant 0 : index
    %get3A_10 = vector.load %arg2[%get3A_8, %get3A_9] : memref<400x64xf32, #tpu.memory_space<vmem>>, vector<400x64xf32>
    %get3A_11 = arith.constant 0 : index
    %get3A_12 = arith.constant 0 : index
    %get3A_13 = vector.load %arg6[%get3A_11, %get3A_12] : memref<64x64xf32, #tpu.memory_space<vmem>>, vector<64x64xf32>
    %dot_general3A_14 = arith.constant dense<0.000000e+00> : vector<400x64xf32>
    %dot_general3A_15 = tpu.matmul %get3A_10, %get3A_13, %dot_general3A_14 {dimension_numbers = #tpu.dot_dimension_numbers<[1], [0], [0], [1], [0, 0, 1, 1], [], []>, transpose_lhs_hint = false} : vector<400x64xf32>, vector<64x64xf32>, vector<400x64xf32> -> vector<400x64xf32>
    %swap3A_16 = arith.constant 0 : index
    %swap3A_17 = arith.constant 0 : index
    %swap3A_18 = vector.load %arg14[%swap3A_16, %swap3A_17] : memref<400x64xf32, #tpu.memory_space<vmem>>, vector<400x64xf32>
    tpu.vector_store %arg14[%swap3A_16, %swap3A_17], %dot_general3A_15 {strides = array<i32>} : memref<400x64xf32, #tpu.memory_space<vmem>>, vector<400x64xf32>,
    %get3A_19 = arith.constant 0 : index
    %get3A_20 = arith.constant 0 : index
    %get3A_21 = vector.load %arg3[%get3A_19, %get3A_20] : memref<4x64xf32, #tpu.memory_space<vmem>>, vector<4x64xf32>
    %get3A_22 = arith.constant 0 : index
    %get3A_23 = arith.constant 0 : index
    %get3A_24 = vector.load %arg7[%get3A_22, %get3A_23] : memref<64x64xf32, #tpu.memory_space<vmem>>, vector<64x64xf32>
    %dot_general3A_25 = arith.constant dense<0.000000e+00> : vector<4x64xf32>
    %dot_general3A_26 = tpu.matmul %get3A_21, %get3A_24, %dot_general3A_25 {dimension_numbers = #tpu.dot_dimension_numbers<[1], [0], [0], [1], [0, 0, 1, 1], [], []>, transpose_lhs_hint = false} : vector<4x64xf32>, vector<64x64xf32>, vector<4x64xf32> -> vector<4x64xf32>
    %swap3A_27 = arith.constant 0 : index
    %swap3A_28 = arith.constant 0 : index
    %swap3A_29 = vector.load %arg15[%swap3A_27, %swap3A_28] : memref<4x64xf32, #tpu.memory_space<vmem>>, vector<4x64xf32>
    tpu.vector_store %arg15[%swap3A_27, %swap3A_28], %dot_general3A_26 {strides = array<i32>} : memref<4x64xf32, #tpu.memory_space<vmem>>, vector<4x64xf32>,
    %get3A_30 = arith.constant 0 : index
    %get3A_31 = arith.constant 0 : index
    %get3A_32 = vector.load %arg4[%get3A_30, %get3A_31] : memref<64x64xf32, #tpu.memory_space<vmem>>, vector<64x64xf32>
    %get3A_33 = arith.constant 0 : index
    %get3A_34 = arith.constant 0 : index
    %get3A_35 = vector.load %arg8[%get3A_33, %get3A_34] : memref<64x64xf32, #tpu.memory_space<vmem>>, vector<64x64xf32>
    %dot_general3A_36 = arith.constant dense<0.000000e+00> : vector<64x64xf32>
    %dot_general3A_37 = tpu.matmul %get3A_32, %get3A_35, %dot_general3A_36 {dimension_numbers = #tpu.dot_dimension_numbers<[1], [0], [0], [1], [0, 0, 1, 1], [], []>, transpose_lhs_hint = false} : vector<64x64xf32>, vector<64x64xf32>, vector<64x64xf32> -> vector<64x64xf32>
    %swap3A_38 = arith.constant 0 : index
    %swap3A_39 = arith.constant 0 : index
    %swap3A_40 = vector.load %arg16[%swap3A_38, %swap3A_39] : memref<64x64xf32, #tpu.memory_space<vmem>>, vector<64x64xf32>
    tpu.vector_store %arg16[%swap3A_38, %swap3A_39], %dot_general3A_37 {strides = array<i32>} : memref<64x64xf32, #tpu.memory_space<vmem>>, vector<64x64xf32>,
    %get3A_41 = arith.constant 0 : index
    %get3A_42 = arith.constant 0 : index
    %get3A_43 = vector.load %arg10[%get3A_41, %get3A_42] : memref<1x64xf32, #tpu.memory_space<vmem>>, vector<1x64xf32>
    %get3A_44 = arith.constant 0 : index
    %get3A_45 = arith.constant 0 : index
    %get3A_46 = vector.load %arg9[%get3A_44, %get3A_45] : memref<64x64xf32, #tpu.memory_space<vmem>>, vector<64x64xf32>
    %dot_general3A_47 = arith.constant dense<0.000000e+00> : vector<1x64xf32>
    %dot_general3A_48 = tpu.matmul %get3A_43, %get3A_46, %dot_general3A_47 {dimension_numbers = #tpu.dot_dimension_numbers<[1], [0], [0], [1], [0, 0, 1, 1], [], []>, transpose_lhs_hint = false} : vector<1x64xf32>, vector<64x64xf32>, vector<1x64xf32> -> vector<1x64xf32>
    %swap3A_49 = arith.constant 0 : index
    %swap3A_50 = arith.constant 0 : index
    %swap3A_51 = vector.load %arg17[%swap3A_49, %swap3A_50] : memref<1x64xf32, #tpu.memory_space<vmem>>, vector<1x64xf32>
    tpu.vector_store %arg17[%swap3A_49, %swap3A_50], %dot_general3A_48 {strides = array<i32>} : memref<1x64xf32, #tpu.memory_space<vmem>>, vector<1x64xf32>,
    %get3A_52 = arith.constant 0 : index
    %get3A_53 = arith.constant 0 : index
    %get3A_54 = vector.load %arg11[%get3A_52, %get3A_53] : memref<1x64xf32, #tpu.memory_space<vmem>>, vector<1x64xf32>
    %get3A_55 = arith.constant 0 : index
    %get3A_56 = arith.constant 0 : index
    %get3A_57 = vector.load %arg9[%get3A_55, %get3A_56] : memref<64x64xf32, #tpu.memory_space<vmem>>, vector<64x64xf32>
    %dot_general3A_58 = arith.constant dense<0.000000e+00> : vector<1x64xf32>
    %dot_general3A_59 = tpu.matmul %get3A_54, %get3A_57, %dot_general3A_58 {dimension_numbers = #tpu.dot_dimension_numbers<[1], [0], [0], [1], [0, 0, 1, 1], [], []>, transpose_lhs_hint = false} : vector<1x64xf32>, vector<64x64xf32>, vector<1x64xf32> -> vector<1x64xf32>
    %get3A_60 = arith.constant 0 : index
    %get3A_61 = arith.constant 0 : index
    %get3A_62 = vector.load %arg12[%get3A_60, %get3A_61] : memref<1x64xf32, #tpu.memory_space<vmem>>, vector<1x64xf32>
    %add3A = arith.addf %dot_general3A_59, %get3A_62 : vector<1x64xf32>
    %swap3A_63 = arith.constant 0 : index
    %swap3A_64 = arith.constant 0 : index
    %swap3A_65 = vector.load %arg18[%swap3A_63, %swap3A_64] : memref<1x64xf32, #tpu.memory_space<vmem>>, vector<1x64xf32>
    tpu.vector_store %arg18[%swap3A_63, %swap3A_64], %add3A {strides = array<i32>} : memref<1x64xf32, #tpu.memory_space<vmem>>, vector<1x64xf32>,
    return
  }
  func.func @transform_0(%arg0: i32) -> (i32, i32) {
    %c0_i32 = arith.constant 0 : i32
    %c0_i32_0 = arith.constant 0 : i32
    %c0_i32_1 = arith.constant 0 : i32
    return %c0_i32, %c0_i32_0 : i32, i32
  }
  func.func @transform_1(%arg0: i32) -> (i32, i32) {
    %c0_i32 = arith.constant 0 : i32
    %c0_i32_0 = arith.constant 0 : i32
    %c0_i32_1 = arith.constant 0 : i32
    return %c0_i32, %c0_i32_0 : i32, i32
  }
  func.func @transform_2(%arg0: i32) -> (i32, i32) {
    %c0_i32 = arith.constant 0 : i32
    %c0_i32_0 = arith.constant 0 : i32
    %c0_i32_1 = arith.constant 0 : i32
    return %c0_i32, %c0_i32_0 : i32, i32
  }
  func.func @transform_3(%arg0: i32) -> (i32, i32) {
    %c0_i32 = arith.constant 0 : i32
    %c0_i32_0 = arith.constant 0 : i32
    %c0_i32_1 = arith.constant 0 : i32
    return %c0_i32, %c0_i32_0 : i32, i32
  }
  func.func @transform_4(%arg0: i32) -> (i32, i32) {
    %c0_i32 = arith.constant 0 : i32
    %c0_i32_0 = arith.constant 0 : i32
    %c0_i32_1 = arith.constant 0 : i32
    return %c0_i32, %c0_i32_0 : i32, i32
  }
  func.func @transform_5(%arg0: i32) -> (i32, i32) {
    %c2_i32 = arith.constant 2 : i32
    %c0_i32 = arith.constant 0 : i32
    %c0_i32_0 = arith.constant 0 : i32
    return %c2_i32, %c0_i32 : i32, i32
  }
  func.func @transform_6(%arg0: i32) -> (i32, i32) {
    %c4_i32 = arith.constant 4 : i32
    %c0_i32 = arith.constant 0 : i32
    %c0_i32_0 = arith.constant 0 : i32
    return %c4_i32, %c0_i32 : i32, i32
  }
  func.func @transform_7(%arg0: i32) -> (i32, i32) {
    %c5_i32 = arith.constant 5 : i32
    %c0_i32 = arith.constant 0 : i32
    %c0_i32_0 = arith.constant 0 : i32
    return %c5_i32, %c0_i32 : i32, i32
  }
  func.func @transform_8(%arg0: i32) -> (i32, i32) {
    %c7_i32 = arith.constant 7 : i32
    %c0_i32 = arith.constant 0 : i32
    %c0_i32_0 = arith.constant 0 : i32
    return %c7_i32, %c0_i32 : i32, i32
  }
  func.func @transform_9(%arg0: i32) -> (i32, i32) {
    %c0_i32 = arith.constant 0 : i32
    %c0_i32_0 = arith.constant 0 : i32
    %c0_i32_1 = arith.constant 0 : i32
    return %c0_i32, %c0_i32_0 : i32, i32
  }
  func.func @transform_10(%arg0: i32) -> (i32, i32) {
    %c0_i32 = arith.constant 0 : i32
    %c0_i32_0 = arith.constant 0 : i32
    %c0_i32_1 = arith.constant 0 : i32
    return %c0_i32, %c0_i32_0 : i32, i32
  }
  func.func @transform_11(%arg0: i32) -> (i32, i32) {
    %c0_i32 = arith.constant 0 : i32
    %c0_i32_0 = arith.constant 0 : i32
    %c0_i32_1 = arith.constant 0 : i32
    return %c0_i32, %c0_i32_0 : i32, i32
  }
  func.func @transform_12(%arg0: i32) -> (i32, i32) {
    %c0_i32 = arith.constant 0 : i32
    %c0_i32_0 = arith.constant 0 : i32
    %c0_i32_1 = arith.constant 0 : i32
    return %c0_i32, %c0_i32_0 : i32, i32
  }
  func.func @transform_13(%arg0: i32) -> (i32, i32) {
    %c0_i32 = arith.constant 0 : i32
    %c0_i32_0 = arith.constant 0 : i32
    %c0_i32_1 = arith.constant 0 : i32
    return %c0_i32, %c0_i32_0 : i32, i32
  }
  func.func @transform_14(%arg0: i32) -> (i32, i32) {
    %c0_i32 = arith.constant 0 : i32
    %c0_i32_0 = arith.constant 0 : i32
    %c0_i32_1 = arith.constant 0 : i32
    return %c0_i32, %c0_i32_0 : i32, i32
  }
  func.func @transform_15(%arg0: i32) -> (i32, i32) {
    %c0_i32 = arith.constant 0 : i32
    %c0_i32_0 = arith.constant 0 : i32
    %c0_i32_1 = arith.constant 0 : i32
    return %c0_i32, %c0_i32_0 : i32, i32
  }
  func.func @transform_16(%arg0: i32) -> (i32, i32) {
    %c0_i32 = arith.constant 0 : i32
    %c0_i32_0 = arith.constant 0 : i32
    %c0_i32_1 = arith.constant 0 : i32
    return %c0_i32, %c0_i32_0 : i32, i32
  }
  func.func @transform_17(%arg0: i32) -> (i32, i32) {
    %c0_i32 = arith.constant 0 : i32
    %c0_i32_0 = arith.constant 0 : i32
    %c0_i32_1 = arith.constant 0 : i32
    return %c0_i32, %c0_i32_0 : i32, i32
  }
}

module attributes {stable_mosaic.version = 14 : i64} {
  func.func @_tc_body(%arg0: i32, %arg1: memref<2048x128xf32, #tpu.memory_space<vmem>>, %arg2: memref<2048x128xf32, #tpu.memory_space<vmem>>, %arg3: memref<2048x128xf32, #tpu.memory_space<vmem>>, %arg4: memref<2048x1xi32, #tpu.memory_space<vmem>>, %arg5: memref<2048x1xi32, #tpu.memory_space<vmem>>, %arg6: memref<2048x1xi32, #tpu.memory_space<vmem>>, %arg7: memref<2048x1xi32, #tpu.memory_space<vmem>>, %arg8: memref<2048x1xf32, #tpu.memory_space<vmem>>, %arg9: memref<64x64xf32, #tpu.memory_space<vmem>>, %arg10: memref<64x64xf32, #tpu.memory_space<vmem>>, %arg11: memref<64x64xf32, #tpu.memory_space<vmem>>, %arg12: memref<16x64xf32, #tpu.memory_space<vmem>>, %arg13: memref<400x64xf32, #tpu.memory_space<vmem>>, %arg14: memref<4x64xf32, #tpu.memory_space<vmem>>, %arg15: memref<64x64xf32, #tpu.memory_space<vmem>>, %arg16: memref<1x64xf32, #tpu.memory_space<vmem>>, %arg17: memref<1x64xf32, #tpu.memory_space<vmem>>, %arg18: memref<2048x64xf32, #tpu.memory_space<vmem>>) attributes {dimension_semantics = [#tpu.dimension_semantics<arbitrary>], iteration_bounds = array<i64: 8>, scalar_prefetch = 0 : i64, scratch_operands = 0 : i64, tpu.core_type = #tpu.core_type<tc>, window_params = [{transform_indices = @transform_0, window_bounds = array<i64: 2048, 128>}, {transform_indices = @transform_1, window_bounds = array<i64: 2048, 128>}, {transform_indices = @transform_2, window_bounds = array<i64: 2048, 128>}, {transform_indices = @transform_3, window_bounds = array<i64: 2048, 1>}, {transform_indices = @transform_4, window_bounds = array<i64: 2048, 1>}, {transform_indices = @transform_5, window_bounds = array<i64: 2048, 1>}, {transform_indices = @transform_6, window_bounds = array<i64: 2048, 1>}, {transform_indices = @transform_7, window_bounds = array<i64: 2048, 1>}, {transform_indices = @transform_8, window_bounds = array<i64: 64, 64>}, {transform_indices = @transform_9, window_bounds = array<i64: 64, 64>}, {transform_indices = @transform_10, window_bounds = array<i64: 64, 64>}, {pipeline_mode = #tpu.pipeline_mode<synchronous>, transform_indices = @transform_11, window_bounds = array<i64: 16, 64>}, {pipeline_mode = #tpu.pipeline_mode<synchronous>, transform_indices = @transform_12, window_bounds = array<i64: 400, 64>}, {pipeline_mode = #tpu.pipeline_mode<synchronous>, transform_indices = @transform_13, window_bounds = array<i64: 4, 64>}, {pipeline_mode = #tpu.pipeline_mode<synchronous>, transform_indices = @transform_14, window_bounds = array<i64: 64, 64>}, {pipeline_mode = #tpu.pipeline_mode<synchronous>, transform_indices = @transform_15, window_bounds = array<i64: 1, 64>}, {pipeline_mode = #tpu.pipeline_mode<synchronous>, transform_indices = @transform_16, window_bounds = array<i64: 1, 64>}, {transform_indices = @transform_17, window_bounds = array<i64: 2048, 64>}]} {
    %get3A = arith.constant 0 : index
    %get3A_0 = arith.constant 0 : index
    %get3A_1 = vector.load %arg17[%get3A, %get3A_0] : memref<1x64xf32, #tpu.memory_space<vmem>>, vector<1x64xf32>
    %get3A_2 = arith.constant 0 : index
    %get3A_3 = arith.constant 0 : index
    %get3A_4 = vector.load %arg8[%get3A_2, %get3A_3] : memref<2048x1xf32, #tpu.memory_space<vmem>>, vector<2048x1xf32>
    %get3A_5 = arith.constant 0 : index
    %get3A_6 = arith.constant 0 : index
    %get3A_7 = vector.load %arg16[%get3A_5, %get3A_6] : memref<1x64xf32, #tpu.memory_space<vmem>>, vector<1x64xf32>
    %mul3A = vector.broadcast %get3A_4 : vector<2048x1xf32> to vector<2048x64xf32>
    %mul3A_8 = vector.broadcast %get3A_7 : vector<1x64xf32> to vector<2048x64xf32>
    %mul3A_9 = arith.mulf %mul3A, %mul3A_8 : vector<2048x64xf32>
    %add3A = vector.broadcast %get3A_1 : vector<1x64xf32> to vector<2048x64xf32>
    %add3A_10 = arith.addf %add3A, %mul3A_9 : vector<2048x64xf32>
    %get3A_11 = arith.constant 0 : index
    %get3A_12 = arith.constant 0 : index
    %get3A_13 = vector.load %arg9[%get3A_11, %get3A_12] : memref<64x64xf32, #tpu.memory_space<vmem>>, vector<64x64xf32>
    %get3A_14 = arith.constant 0 : index
    %get3A_15 = arith.constant 0 : index
    %get3A_16 = vector.load %arg9[%get3A_14, %get3A_15] : memref<64x64xf32, #tpu.memory_space<vmem>>, vector<64x64xf32>
    %concatenate3A = tpu.concatenate %get3A_13, %get3A_16 in 0 : vector<64x64xf32>, vector<64x64xf32> -> vector<128x64xf32>
    %get3A_17 = arith.constant 0 : index
    %get3A_18 = arith.constant 0 : index
    %get3A_19 = vector.load %arg10[%get3A_17, %get3A_18] : memref<64x64xf32, #tpu.memory_space<vmem>>, vector<64x64xf32>
    %get3A_20 = arith.constant 0 : index
    %get3A_21 = arith.constant 0 : index
    %get3A_22 = vector.load %arg10[%get3A_20, %get3A_21] : memref<64x64xf32, #tpu.memory_space<vmem>>, vector<64x64xf32>
    %concatenate3A_23 = tpu.concatenate %get3A_19, %get3A_22 in 0 : vector<64x64xf32>, vector<64x64xf32> -> vector<128x64xf32>
    %get3A_24 = arith.constant 0 : index
    %get3A_25 = arith.constant 0 : index
    %get3A_26 = vector.load %arg11[%get3A_24, %get3A_25] : memref<64x64xf32, #tpu.memory_space<vmem>>, vector<64x64xf32>
    %get3A_27 = arith.constant 0 : index
    %get3A_28 = arith.constant 0 : index
    %get3A_29 = vector.load %arg11[%get3A_27, %get3A_28] : memref<64x64xf32, #tpu.memory_space<vmem>>, vector<64x64xf32>
    %concatenate3A_30 = tpu.concatenate %get3A_26, %get3A_29 in 0 : vector<64x64xf32>, vector<64x64xf32> -> vector<128x64xf32>
    %get3A_31 = arith.constant 0 : index
    %get3A_32 = arith.constant 0 : index
    %get3A_33 = vector.load %arg1[%get3A_31, %get3A_32] : memref<2048x128xf32, #tpu.memory_space<vmem>>, vector<2048x128xf32>
    %dot_general3A = arith.constant dense<0.000000e+00> : vector<2048x64xf32>
    %dot_general3A_34 = tpu.matmul %get3A_33, %concatenate3A, %dot_general3A {dimension_numbers = #tpu.dot_dimension_numbers<[1], [0], [0], [1], [0, 0, 1, 1], [], []>, transpose_lhs_hint = false} : vector<2048x128xf32>, vector<128x64xf32>, vector<2048x64xf32> -> vector<2048x64xf32>
    %add3A_35 = arith.addf %add3A_10, %dot_general3A_34 : vector<2048x64xf32>
    %get3A_36 = arith.constant 0 : index
    %get3A_37 = arith.constant 0 : index
    %get3A_38 = vector.load %arg2[%get3A_36, %get3A_37] : memref<2048x128xf32, #tpu.memory_space<vmem>>, vector<2048x128xf32>
    %dot_general3A_39 = arith.constant dense<0.000000e+00> : vector<2048x64xf32>
    %dot_general3A_40 = tpu.matmul %get3A_38, %concatenate3A_23, %dot_general3A_39 {dimension_numbers = #tpu.dot_dimension_numbers<[1], [0], [0], [1], [0, 0, 1, 1], [], []>, transpose_lhs_hint = false} : vector<2048x128xf32>, vector<128x64xf32>, vector<2048x64xf32> -> vector<2048x64xf32>
    %add3A_41 = arith.addf %add3A_35, %dot_general3A_40 : vector<2048x64xf32>
    %get3A_42 = arith.constant 0 : index
    %get3A_43 = arith.constant 0 : index
    %get3A_44 = vector.load %arg3[%get3A_42, %get3A_43] : memref<2048x128xf32, #tpu.memory_space<vmem>>, vector<2048x128xf32>
    %dot_general3A_45 = arith.constant dense<0.000000e+00> : vector<2048x64xf32>
    %dot_general3A_46 = tpu.matmul %get3A_44, %concatenate3A_30, %dot_general3A_45 {dimension_numbers = #tpu.dot_dimension_numbers<[1], [0], [0], [1], [0, 0, 1, 1], [], []>, transpose_lhs_hint = false} : vector<2048x128xf32>, vector<128x64xf32>, vector<2048x64xf32> -> vector<2048x64xf32>
    %add3A_47 = arith.addf %add3A_41, %dot_general3A_46 : vector<2048x64xf32>
    %get3A_48 = arith.constant 0 : index
    %get3A_49 = arith.constant 0 : index
    %get3A_50 = vector.load %arg4[%get3A_48, %get3A_49] : memref<2048x1xi32, #tpu.memory_space<vmem>>, vector<2048x1xi32>
    %get3A_51 = arith.constant 0 : index
    %get3A_52 = arith.constant 0 : index
    %get3A_53 = vector.load %arg12[%get3A_51, %get3A_52] : memref<16x64xf32, #tpu.memory_space<vmem>>, vector<16x64xf32>
    %iota3A = tpu.iota {dimensions = array<i32: 1>} : vector<2048x16xi32>
    %eq3A = vector.broadcast %get3A_50 : vector<2048x1xi32> to vector<2048x16xi32>
    %eq3A_54 = arith.cmpi eq, %iota3A, %eq3A : vector<2048x16xi32>
    %convert_element_type3A = arith.extui %eq3A_54 : vector<2048x16xi1> to vector<2048x16xi32>
    %convert_element_type3A_55 = arith.sitofp %convert_element_type3A : vector<2048x16xi32> to vector<2048x16xf32>
    %dot_general3A_56 = arith.constant dense<0.000000e+00> : vector<2048x64xf32>
    %dot_general3A_57 = tpu.matmul %convert_element_type3A_55, %get3A_53, %dot_general3A_56 {dimension_numbers = #tpu.dot_dimension_numbers<[1], [0], [0], [1], [0, 0, 1, 1], [], []>, transpose_lhs_hint = false} : vector<2048x16xf32>, vector<16x64xf32>, vector<2048x64xf32> -> vector<2048x64xf32>
    %add3A_58 = arith.addf %add3A_47, %dot_general3A_57 : vector<2048x64xf32>
    %get3A_59 = arith.constant 0 : index
    %get3A_60 = arith.constant 0 : index
    %get3A_61 = vector.load %arg5[%get3A_59, %get3A_60] : memref<2048x1xi32, #tpu.memory_space<vmem>>, vector<2048x1xi32>
    %get3A_62 = arith.constant 0 : index
    %get3A_63 = arith.constant 0 : index
    %get3A_64 = vector.load %arg13[%get3A_62, %get3A_63] : memref<400x64xf32, #tpu.memory_space<vmem>>, vector<400x64xf32>
    %iota3A_65 = tpu.iota {dimensions = array<i32: 1>} : vector<2048x400xi32>
    %eq3A_66 = vector.broadcast %get3A_61 : vector<2048x1xi32> to vector<2048x400xi32>
    %eq3A_67 = arith.cmpi eq, %iota3A_65, %eq3A_66 : vector<2048x400xi32>
    %convert_element_type3A_68 = arith.extui %eq3A_67 : vector<2048x400xi1> to vector<2048x400xi32>
    %convert_element_type3A_69 = arith.sitofp %convert_element_type3A_68 : vector<2048x400xi32> to vector<2048x400xf32>
    %dot_general3A_70 = arith.constant dense<0.000000e+00> : vector<2048x64xf32>
    %dot_general3A_71 = tpu.matmul %convert_element_type3A_69, %get3A_64, %dot_general3A_70 {dimension_numbers = #tpu.dot_dimension_numbers<[1], [0], [0], [1], [0, 0, 1, 1], [], []>, transpose_lhs_hint = false} : vector<2048x400xf32>, vector<400x64xf32>, vector<2048x64xf32> -> vector<2048x64xf32>
    %add3A_72 = arith.addf %add3A_58, %dot_general3A_71 : vector<2048x64xf32>
    %get3A_73 = arith.constant 0 : index
    %get3A_74 = arith.constant 0 : index
    %get3A_75 = vector.load %arg6[%get3A_73, %get3A_74] : memref<2048x1xi32, #tpu.memory_space<vmem>>, vector<2048x1xi32>
    %get3A_76 = arith.constant 0 : index
    %get3A_77 = arith.constant 0 : index
    %get3A_78 = vector.load %arg14[%get3A_76, %get3A_77] : memref<4x64xf32, #tpu.memory_space<vmem>>, vector<4x64xf32>
    %iota3A_79 = tpu.iota {dimensions = array<i32: 1>} : vector<2048x4xi32>
    %eq3A_80 = vector.broadcast %get3A_75 : vector<2048x1xi32> to vector<2048x4xi32>
    %eq3A_81 = arith.cmpi eq, %iota3A_79, %eq3A_80 : vector<2048x4xi32>
    %convert_element_type3A_82 = arith.extui %eq3A_81 : vector<2048x4xi1> to vector<2048x4xi32>
    %convert_element_type3A_83 = arith.sitofp %convert_element_type3A_82 : vector<2048x4xi32> to vector<2048x4xf32>
    %dot_general3A_84 = arith.constant dense<0.000000e+00> : vector<2048x64xf32>
    %dot_general3A_85 = tpu.matmul %convert_element_type3A_83, %get3A_78, %dot_general3A_84 {dimension_numbers = #tpu.dot_dimension_numbers<[1], [0], [0], [1], [0, 0, 1, 1], [], []>, transpose_lhs_hint = false} : vector<2048x4xf32>, vector<4x64xf32>, vector<2048x64xf32> -> vector<2048x64xf32>
    %add3A_86 = arith.addf %add3A_72, %dot_general3A_85 : vector<2048x64xf32>
    %get3A_87 = arith.constant 0 : index
    %get3A_88 = arith.constant 0 : index
    %get3A_89 = vector.load %arg7[%get3A_87, %get3A_88] : memref<2048x1xi32, #tpu.memory_space<vmem>>, vector<2048x1xi32>
    %get3A_90 = arith.constant 0 : index
    %get3A_91 = arith.constant 0 : index
    %get3A_92 = vector.load %arg15[%get3A_90, %get3A_91] : memref<64x64xf32, #tpu.memory_space<vmem>>, vector<64x64xf32>
    %iota3A_93 = tpu.iota {dimensions = array<i32: 1>} : vector<2048x64xi32>
    %eq3A_94 = vector.broadcast %get3A_89 : vector<2048x1xi32> to vector<2048x64xi32>
    %eq3A_95 = arith.cmpi eq, %iota3A_93, %eq3A_94 : vector<2048x64xi32>
    %convert_element_type3A_96 = arith.extui %eq3A_95 : vector<2048x64xi1> to vector<2048x64xi32>
    %convert_element_type3A_97 = arith.sitofp %convert_element_type3A_96 : vector<2048x64xi32> to vector<2048x64xf32>
    %dot_general3A_98 = arith.constant dense<0.000000e+00> : vector<2048x64xf32>
    %dot_general3A_99 = tpu.matmul %convert_element_type3A_97, %get3A_92, %dot_general3A_98 {dimension_numbers = #tpu.dot_dimension_numbers<[1], [0], [0], [1], [0, 0, 1, 1], [], []>, transpose_lhs_hint = false} : vector<2048x64xf32>, vector<64x64xf32>, vector<2048x64xf32> -> vector<2048x64xf32>
    %add3A_100 = arith.addf %add3A_86, %dot_general3A_99 : vector<2048x64xf32>
    %swap3A = arith.constant 0 : index
    %swap3A_101 = arith.constant 0 : index
    %swap3A_102 = vector.load %arg18[%swap3A, %swap3A_101] : memref<2048x64xf32, #tpu.memory_space<vmem>>, vector<2048x64xf32>
    tpu.vector_store %arg18[%swap3A, %swap3A_101], %add3A_100 {strides = array<i32>} : memref<2048x64xf32, #tpu.memory_space<vmem>>, vector<2048x64xf32>,
    return
  }
  func.func @transform_0(%arg0: i32) -> (i32, i32) {
    %c0_i32 = arith.constant 0 : i32
    %c0_i32_0 = arith.constant 0 : i32
    return %arg0, %c0_i32 : i32, i32
  }
  func.func @transform_1(%arg0: i32) -> (i32, i32) {
    %c0_i32 = arith.constant 0 : i32
    %c0_i32_0 = arith.constant 0 : i32
    return %arg0, %c0_i32 : i32, i32
  }
  func.func @transform_2(%arg0: i32) -> (i32, i32) {
    %c0_i32 = arith.constant 0 : i32
    %c0_i32_0 = arith.constant 0 : i32
    return %arg0, %c0_i32 : i32, i32
  }
  func.func @transform_3(%arg0: i32) -> (i32, i32) {
    %c0_i32 = arith.constant 0 : i32
    %c0_i32_0 = arith.constant 0 : i32
    return %arg0, %c0_i32 : i32, i32
  }
  func.func @transform_4(%arg0: i32) -> (i32, i32) {
    %c0_i32 = arith.constant 0 : i32
    %c0_i32_0 = arith.constant 0 : i32
    return %arg0, %c0_i32 : i32, i32
  }
  func.func @transform_5(%arg0: i32) -> (i32, i32) {
    %c0_i32 = arith.constant 0 : i32
    %c0_i32_0 = arith.constant 0 : i32
    return %arg0, %c0_i32 : i32, i32
  }
  func.func @transform_6(%arg0: i32) -> (i32, i32) {
    %c0_i32 = arith.constant 0 : i32
    %c0_i32_0 = arith.constant 0 : i32
    return %arg0, %c0_i32 : i32, i32
  }
  func.func @transform_7(%arg0: i32) -> (i32, i32) {
    %c0_i32 = arith.constant 0 : i32
    %c0_i32_0 = arith.constant 0 : i32
    return %arg0, %c0_i32 : i32, i32
  }
  func.func @transform_8(%arg0: i32) -> (i32, i32) {
    %c1_i32 = arith.constant 1 : i32
    %c0_i32 = arith.constant 0 : i32
    %c0_i32_0 = arith.constant 0 : i32
    return %c1_i32, %c0_i32 : i32, i32
  }
  func.func @transform_9(%arg0: i32) -> (i32, i32) {
    %c3_i32 = arith.constant 3 : i32
    %c0_i32 = arith.constant 0 : i32
    %c0_i32_0 = arith.constant 0 : i32
    return %c3_i32, %c0_i32 : i32, i32
  }
  func.func @transform_10(%arg0: i32) -> (i32, i32) {
    %c6_i32 = arith.constant 6 : i32
    %c0_i32 = arith.constant 0 : i32
    %c0_i32_0 = arith.constant 0 : i32
    return %c6_i32, %c0_i32 : i32, i32
  }
  func.func @transform_11(%arg0: i32) -> (i32, i32) {
    %c0_i32 = arith.constant 0 : i32
    %c0_i32_0 = arith.constant 0 : i32
    %c0_i32_1 = arith.constant 0 : i32
    return %c0_i32, %c0_i32_0 : i32, i32
  }
  func.func @transform_12(%arg0: i32) -> (i32, i32) {
    %c0_i32 = arith.constant 0 : i32
    %c0_i32_0 = arith.constant 0 : i32
    %c0_i32_1 = arith.constant 0 : i32
    return %c0_i32, %c0_i32_0 : i32, i32
  }
  func.func @transform_13(%arg0: i32) -> (i32, i32) {
    %c0_i32 = arith.constant 0 : i32
    %c0_i32_0 = arith.constant 0 : i32
    %c0_i32_1 = arith.constant 0 : i32
    return %c0_i32, %c0_i32_0 : i32, i32
  }
  func.func @transform_14(%arg0: i32) -> (i32, i32) {
    %c0_i32 = arith.constant 0 : i32
    %c0_i32_0 = arith.constant 0 : i32
    %c0_i32_1 = arith.constant 0 : i32
    return %c0_i32, %c0_i32_0 : i32, i32
  }
  func.func @transform_15(%arg0: i32) -> (i32, i32) {
    %c0_i32 = arith.constant 0 : i32
    %c0_i32_0 = arith.constant 0 : i32
    %c0_i32_1 = arith.constant 0 : i32
    return %c0_i32, %c0_i32_0 : i32, i32
  }
  func.func @transform_16(%arg0: i32) -> (i32, i32) {
    %c0_i32 = arith.constant 0 : i32
    %c0_i32_0 = arith.constant 0 : i32
    %c0_i32_1 = arith.constant 0 : i32
    return %c0_i32, %c0_i32_0 : i32, i32
  }
  func.func @transform_17(%arg0: i32) -> (i32, i32) {
    %c0_i32 = arith.constant 0 : i32
    %c0_i32_0 = arith.constant 0 : i32
    return %arg0, %c0_i32 : i32, i32
  }
}

</mosaic_0001>

<sc_bundles>
// kernel: kernel.5.cloned.1.call-start
scs
__scs_entry_jumppad:
0x0: {  	(pc) =	sbr.rel $0x88, $3  }
0x1: {  	(tag) =	ssettag $0x0;
	lr =	simm.s32 $0x1  }
0x2: {  	[smem:$0x3F8E] =	sst lr;
	_ =	strace $0xD0000000  }
0x3: {  	_ = 	snop  }
0x4: {  	_ = 	snop  }
0x5: {  	_ = 	snop  }
0x6: {  	_ = 	snop  }
0x7: {  	_ = 	snop  }
__scs_overlays_trampoline_lowered:
0x8: {  	[smem:$0x3F9D] =	sst s0  }
0x9: {  	[smem:$0x3F9E] =	sst s1  }
0xa: {  	[smem:$0x3F9F] =	sst s2  }
0xb: {  	[smem:$0x3FA0] =	sst s3  }
0xc: {  	[smem:$0x3FA1] =	sst s4  }
0xd: {  	[smem:$0x3FA2] =	sst s5  }
0xe: {  	[smem:$0x3FA3] =	sst s6  }
0xf: {  	[smem:$0x3FA4] =	sst s7  }
0x10: {  	[smem:$0x3FA5] =	sst s8  }
0x11: {  	[smem:$0x3FA6] =	sst s9;
	s0 =	simm.s32 @!p0 $0x0  }
0x12: {  	s1 =	sld [smem:$0x3F8C];
	s0 =	simm.s32 @p0 $0x1  }
0x13: {  	[smem:$0x3FA7] =	sst s0;
	s0 =	simm.s32 @!p1 $0x0  }
0x14: {  	s2 =	sld [smem:$0x3F8B];
	s0 =	simm.s32 @p1 $0x1  }
0x15: {  	[smem:$0x3FA8] =	sst s0;
	s0 =	simm.s32 @!p2 $0x0  }
0x16: {  	s3 =	sld [smem:$0x3FDB];
	s0 =	simm.s32 @p2 $0x1  }
0x17: {  	s4 =	simm.s32 $0x1BF5;
	[smem:$0x3FAA] =	sst s0  }
0x18: {  	s0 =	sld [smem:$0x3F8D];
	_ =	swait.ge [sflag:s4], $0x0  }
0x19: {  	s7 =	sld [smem:$0x3F8E]  }
0x1a: {  	s8 =	sadd.s32 $0xFFFFE003, lr  }
0x1b: {  	s9 =	sadd.s32 $0xFFFFFEF7, lr;
	s5 =	simm.s32 $0xFFFFFFFF;
	p2 =	slt.u32 s8, $0xFFFFF086  }
0x1c: {  	p1 =	slt.u32 s9, $0xF7A;
	s5 =	simm.s32 @!p2 $0x0  }
0x1d: {  	s5 =	simm.s32 @p1 $0x1;
	p0 =	seq.s32 s7, s2  }
0x1e: {  	s7 =	smul.u32 @!p0 $0xF7A, s2;
	p2 =	seq.s32 @!p0 s5, $0x0  }
0x1f: {  	s9 =	smul.u32 $0xF7A, s1;
	s8 =	simm.s32 @!p0 $0x1BF5;
	p2 =	por !p2, p0  }
0x20: {  	[sflag:s8] =	ssyncset.s32 @!p0 $0xFFFFF086;
	s6 =	sadd.s32 @!p0 s3, s7;
	s7 =	simm.s32 @!p0 $0x108  }
0x21: {  	s3 =	sadd.s32 s3, s9;
	s6 =	sadd.s32 @!p0 $0x88, s6;
	s7 =	simm.s32 @p2 $0x1082  }
0x22: {  	[simem:s7], [sflag:s8] =	dma.local @!p0 [hbm:s6], $0xF7A  }
0x23: {  	s9 =	sor.u32 $0xD0000000, s2;
	s6 =	simm.s32 $0x108;
	_ =	swait.ge @!p0 [sflag:s8], $0x0  }
0x24: {  	s3 =	sadd.s32 $0x88, s3;
	s6 =	simm.s32 @!p1 $0x1082;
	[sflag:s4] =	ssyncset.s32 $0xFFFFF086  }
0x25: {  	[simem:s6], [sflag:s4] =	dma.local [hbm:s3], $0xF7A  }
0x26: {  	[smem:$0x3F8E] =	sst s1;
	(tag) =	ssettag s2;
	_ =	strace s9  }
0x27: {  	s1 =	sld [smem:$0x3F9E]  }
0x28: {  	s2 =	sld [smem:$0x3F9F]  }
0x29: {  	s4 =	sld [smem:$0x3FA1]  }
0x2a: {  	p0 =	seq.s32 s5, $0x0;
	s5 =	sld [smem:$0x3FA2]  }
0x2b: {  	s6 =	sld [smem:$0x3FA3]  }
0x2c: {  	s7 =	sld [smem:$0x3FA4]  }
0x2d: {  	s3 =	simm.s32 $0x108;
	s8 =	sld [smem:$0x3FA5]  }
0x2e: {  	s3 =	simm.s32 @!p0 $0x1082;
	s9 =	sld [smem:$0x3FA6]  }
0x2f: {  	lr =	sadd.s32 s0, s3;
	s0 =	sld [smem:$0x3F9D]  }
0x30: {  	s3 =	sld [smem:$0x3FA0]  }
0x31: {  	[smem:$0x3FA9] =	sst s10  }
0x32: {  	s10 =	sld [smem:$0x3FA7];
	_ =	sdelay $0x3  }
0x33: {  	p0 =	seq.s32 s10, $0x1;
	s10 =	sld [smem:$0x3FA9];
	_ =	sdelay $0x3  }
0x34: {  	[smem:$0x3FA9] =	sst s10  }
0x35: {  	s10 =	sld [smem:$0x3FA8];
	_ =	sdelay $0x3  }
0x36: {  	p1 =	seq.s32 s10, $0x1;
	s10 =	sld [smem:$0x3FA9];
	_ =	sdelay $0x3  }
0x37: {  	[smem:$0x3FA9] =	sst s10  }
0x38: {  	s10 =	sld [smem:$0x3FAA]  }
0x39: {  	_ = 	snop;
	(pc) =	sbr.ind lr, $3  }
0x3a: {  	_ = 	snop  }
0x3b: {  	_ = 	snop  }
0x3c: {  	p2 =	seq.s32 s10, $0x1;
	s10 =	sld [smem:$0x3FA9]  }
0x3d: {  	_ =	shalt  }
0x3e: {  	_ =	shalt  }
0x3f: {  	_ =	shalt  }
0x40: {  	_ =	shalt  }
0x41: {  	_ =	shalt  }
0x42: {  	_ =	shalt  }
0x43: {  	_ =	shalt  }
0x44: {  	_ =	shalt  }
0x45: {  	_ =	shalt  }
0x46: {  	_ =	shalt  }
0x47: {  	_ =	shalt  }
0x48: {  	_ =	shalt  }
0x49: {  	_ =	shalt  }
0x4a: {  	_ =	shalt  }
0x4b: {  	_ =	shalt  }
0x4c: {  	_ =	shalt  }
0x4d: {  	_ =	shalt  }
0x4e: {  	_ =	shalt  }
0x4f: {  	_ =	shalt  }
0x50: {  	_ =	shalt  }
0x51: {  	_ =	shalt  }
0x52: {  	_ =	shalt  }
0x53: {  	_ =	shalt  }
0x54: {  	_ =	shalt  }
0x55: {  	_ =	shalt  }
0x56: {  	_ =	shalt  }
0x57: {  	_ =	shalt  }
0x58: {  	_ =	shalt  }
0x59: {  	_ =	shalt  }
0x5a: {  	_ =	shalt  }
0x5b: {  	_ =	shalt  }
0x5c: {  	_ =	shalt  }
0x5d: {  	_ =	shalt  }
0x5e: {  	_ =	shalt  }
0x5f: {  	_ =	shalt  }
0x60: {  	_ =	shalt  }
0x61: {  	_ =	shalt  }
0x62: {  	_ =	shalt  }
0x63: {  	_ =	shalt  }
0x64: {  	_ =	shalt  }
0x65: {  	_ =	shalt  }
0x66: {  	_ =	shalt  }
0x67: {  	_ =	shalt  }
0x68: {  	_ =	shalt  }
0x69: {  	_ =	shalt  }
0x6a: {  	_ =	shalt  }
0x6b: {  	_ =	shalt  }
0x6c: {  	_ =	shalt  }
0x6d: {  	_ =	shalt  }
0x6e: {  	_ =	shalt  }
0x6f: {  	_ =	shalt  }
0x70: {  	_ =	shalt  }
0x71: {  	_ =	shalt  }
0x72: {  	_ =	shalt  }
0x73: {  	_ =	shalt  }
0x74: {  	_ =	shalt  }
0x75: {  	_ =	shalt  }
0x76: {  	_ =	shalt  }
0x77: {  	_ =	shalt  }
0x78: {  	_ =	shalt  }
0x79: {  	_ =	shalt  }
0x7a: {  	_ =	shalt  }
0x7b: {  	_ =	shalt  }
0x7c: {  	_ =	shalt  }
0x7d: {  	_ =	shalt  }
0x7e: {  	_ =	shalt  }
0x7f: {  	_ =	shalt  }
0x80: {  	_ =	shalt  }
0x81: {  	_ =	shalt  }
0x82: {  	_ =	shalt  }
0x83: {  	_ =	shalt  }
0x84: {  	_ =	shalt  }
0x85: {  	_ =	shalt  }
0x86: {  	_ =	shalt  }
0x87: {  	_ =	shalt  }
.Lfunc_end0:
.L_simem_size_0:
called_computation_lowered:
.L_overlay_start_0:
0x88: {  	s2 =	sld [smem:$0x3FD9]  }
0x89: {  	s3 =	sld [smem:$0x3FFE];
	_ =	sdelay $0x1  }
0x8a: {  	s1 =	srdreg.scid  }
0x8b: {  	s0 =	sand.u32 $0x1, s1  }
0x8c: {  	s17 =	sshll.u32 s0, $0xA;
	s2 =	sadd.s32 s3, s2  }
0x8d: {  	s2 =	sadd.s32 s2, s17  }
0x8e: {  	[smem:$0x3FB5] =	sst s2  }
0x8f: {  	_ = 	snop  }
0x90: {  	s2 =	sld [smem:$0x3FC8]  }
0x91: {  	s18 =	sld [smem:$0x3FC6]  }
0x92: {  	s4 =	sld [smem:$0x3FC3];
	(tm) =	ssettm $0x1  }
0x93: {  	s5 =	sld [smem:$0x3FFB];
	_ =	sdelay $0x3  }
0x94: {  	_ =	strace s5  }
0x95: {  	s5 =	sld [smem:$0x3FFC];
	_ =	sdelay $0x3  }
0x96: {  	_ =	strace s5  }
0x97: {  	s5 =	sld [smem:$0x3FFD];
	_ =	sdelay $0x3  }
0x98: {  	_ =	strace s5  }
0x99: {  	_ =	strace $0x8FFFFFFF  }
0x9a: {  	s19 =	sld [smem:$0x3FDB];
	_ =	sdelay $0x1  }
0x9b: {  	s6 =	simm.s32 $_scs_section_size  }
0x9c: {  	s7 =	simm.s32 $_size__tile_overlayer_lowered;
	s8 =	simm.s32 $_tile_overlayer_lowered  }
0x9d: {  	s22 =	simm.s32 $0x1BFF;
	s21 =	sshll.u32 s8, $0x1;
	s5 =	sadd.s32 s6, s19  }
0x9e: {  	s9 =	simm.s32 $0x0;
	s20 =	sshll.u32 s7, $0x1;
	s7 =	sadd.s32 s21, s5  }
0x9f: {  	[timem:s9], [sflag:s22] =	dma.local [hbm:s7], s20  }
0xa0: {  	_ =	swait.ge [sflag:s22], s20  }
0xa1: {  	s6 =	ssub.s32 $0x0, s20;
	[sflag:s22] =	ssyncset.done $0x0  }
0xa2: {  	[sflag:s22] =	ssyncadd.s32 s6;
	_ =	sdelay $0x1  }
0xa3: {  	s23 =	simm.s32 $0x1B8B  }
0xa4: {  	_ =	swait.ge [sflag:s23], $0x1  }
0xa5: {  	[sflag:s23] =	ssyncset.done $0x0  }
0xa6: {  	s25 =	simm.s32 $0x1B8E;
	s24 =	sld [smem:$0x3FFE];
	[sflag:s23] =	ssyncadd.s32 $0xFFFFFFFF  }
0xa7: {  	s26 =	simm.s32 $execute0_lowered;
	[smem:$0x3FD2] =	sst s25  }
0xa8: {  	s7 =	sshll.u32 s26, $0x1;
	_ =	strace $0x80000046;
	[dreg:$0x1] =	wrdreg $0xFFFFFFFF  }
0xa9: {  	s28 =	simm.s32 $_size_execute0_lowered;
	s5 =	sadd.s32 s5, s7;
	[dreg:$0x0] =	wrdreg $0x0  }
0xaa: {  	s7 =	sshll.u32 s28, $0x1;
	[dreg:$0x2] =	wrdreg s5  }
0xab: {  	[dreg:$0x3] =	wrdreg s7  }
0xac: {  	[dreg:$0x4] =	wrdreg $0xC0  }
0xad: {  	_ =	task [dreg:s9], $0x5FFFF  }
0xae: {  	[dreg:$0x1] =	wrdreg $0xFFFFFFFF  }
0xaf: {  	[dreg:$0x0] =	wrdreg $0x60  }
0xb0: {  	[dreg:$0x2] =	wrdreg s2  }
0xb1: {  	[dreg:$0x3] =	wrdreg s18  }
0xb2: {  	[dreg:$0x4] =	wrdreg s4  }
0xb3: {  	[dreg:$0x5] =	wrdreg s24  }
0xb4: {  	[dreg:$0x6] =	wrdreg $0x9  }
0xb5: {  	_ =	task.clear_ibuf [dreg:s9], $0x7FFFF;
	_ =	strace $0x90000046  }
0xb6: {  	s29 =	simm.s32 $0x9;
	_ =	strace $0x80000048  }
0xb7: {  	_ =	swait.ge [sflag:s29], $0x1  }
0xb8: {  	[sflag:s29] =	ssyncadd.s32 $0xFFFFFFFF  }
0xb9: {  	_ =	strace $0x90000048  }
0xba: {  	_ =	sfence  }
0xbb: {  	s30 =	sld [smem:$0x0];
	_ =	sdelay $0x2  }
0xbc: {  	s31 =	sshll.u32 s1, $0xD;
	s1 =	sshrl.u32 s1, $0x2  }
0xbd: {  	s3 =	sand.u32 $0x4000, s31;
	s1 =	sadd.s32 s1, s30  }
0xbe: {  	s0 =	sor.u32 s3, s0;
	s1 =	sshll.u32 s1, $0x11  }
0xbf: {  	s0 =	sor.u32 s1, s0  }
0xc0: {  	s0 =	sadd.s32 $0x8F2B, s0  }
0xc1: {  	[sflag:s0] =	ssyncadd.remote.s32 $0x1  }
0xc2: {  	_ =	sfence.sel $0xFFFF  }
0xc3: {  	[dreg:$0x0] =	wrdreg $0xFFFFFFFF;
	(pc) =	sbr.abs _section_cstart, $3  }
0xc4: {  	[dreg:$0x1] =	wrdreg $0xFFFFFFFF  }
0xc5: {  	_ =	task.clear_ibuf [dreg:s9], $0x2FFFF;
	_ =	strace $0x9FFFFFFF  }
0xc6: {  	(tm) =	ssettm $0x7FFFFFFF  }
0xc7: {  	_ =	shalt  }
tec
execute0_lowered:
.L_overlay_start_1:
0x0: {  	(tag) =	ssettag $0x1  }
0x1: {  	s0 =	rddreg [dreg:$0x0]  }
0x2: {  	s1 =	rddreg [dreg:$0x1]  }
0x3: {  	s2 =	srdreg.scid;
	s3 =	rddreg [dreg:$0x2]  }
0x4: {  	s6 =	stileid.u32;
	s5 =	rddreg [dreg:$0x3]  }
0x5: {  	s31 =	simm.s32 $0x3;
	p0 =	por $0x0, $0x0;
	s28 =	simm.s32 $0x9  }
0x6: {  	s4 =	sand.u32 $0x1, s2;
	s6 =	sshll.u32 s6, $0xA;
	s8 =	sadd.s32 $0x18AE00, s5  }
0x7: {  	s2 =	simm.s32 $0x0;
	s9 =	sadd.s32 $0x1CAE00, s5;
	s7 =	sshll.u32 s4, $0x9  }
0x8: {  	s10 =	sadd.s32 $0x20AE00, s5;
	s29 =	sadd.s32 $0x311800, s5;
	s6 =	sor.u32 s7, s6  }
0x9: {  	s24 =	sadd.s32 $0x4400, s5;
	[smem:$0x7FF] =	sst s2;
	s7 =	sshrl.u32 s6, $0x3  }
0xa: {  	s14 =	ssub.s32 $0x2, s4;
	s4 =	simm.s32 $0xB;
	s0 =	sadd.s32 s0, s7  }
0xb: {  	_ =	strace $0x80000047;
	s16 =	sadd.s32 s1, s7;
	[dreg:$0x5] =	wrdreg s0  }
0xc: {  	s18 =	sshll.u32 s6, $0x4;
	s17 =	sadd.s32 s3, s7;
	[dreg:$0x6] =	wrdreg s16  }
0xd: {  	s19 =	sadd.s32 s8, s18;
	s20 =	sor.u32 $0x800, s18;
	[dreg:$0x7] =	wrdreg s17  }
0xe: {  	s6 =	sor.u32 $0x1000, s18;
	s26 =	sadd.s32 s9, s18;
	[dreg:$0x8] =	wrdreg s19  }
0xf: {  	s23 =	sor.u32 $0x1800, s18;
	s12 =	sadd.s32 s10, s18;
	[dreg:$0xc] =	wrdreg s26  }
0x10: {  	s7 =	simm.s32 $0x8600;
	s21 =	sadd.s32 s8, s20;
	[dreg:$0x10] =	wrdreg s12  }
0x11: {  	s3 =	simm.s32 $0x10600;
	s22 =	sadd.s32 s8, s6;
	[dreg:$0x9] =	wrdreg s21  }
0x12: {  	s25 =	sadd.s32 s8, s23;
	s30 =	sadd.s32 s9, s20;
	[dreg:$0xa] =	wrdreg s22  }
0x13: {  	s8 =	sadd.s32 s9, s6;
	s11 =	sadd.s32 s9, s23;
	[dreg:$0xb] =	wrdreg s25  }
0x14: {  	s13 =	sadd.s32 s10, s20;
	s15 =	sadd.s32 s10, s6;
	[dreg:$0xd] =	wrdreg s30  }
0x15: {  	s16 =	sshrl.u32 s14, $0x1;
	s17 =	sadd.s32 s10, s23;
	[dreg:$0xe] =	wrdreg s8  }
0x16: {  	s19 =	simm.s32 $0x100;
	s12 =	simm.s32 $0x600;
	[dreg:$0xf] =	wrdreg s11  }
0x17: {  	s20 =	simm.s32 $0x180;
	s10 =	simm.s32 $0x4600;
	[dreg:$0x11] =	wrdreg s13  }
0x18: {  	s0 =	simm.s32 $0x2;
	s23 =	simm.s32 $0x380;
	[dreg:$0x12] =	wrdreg s15  }
0x19: {  	s26 =	simm.s32 $0x500;
	s6 =	simm.s32 $0xC;
	[dreg:$0x13] =	wrdreg s17  }
0x1a: {  	s9 =	simm.s32 $0xE;
	s13 =	sadd.s32 $0x498200, s5;
	[dreg:$0x14] =	wrdreg s19  }
0x1b: {  	s1 =	ssub.s32 s14, s16;
	s14 =	simm.s32 $0x80;
	[dreg:$0x15] =	wrdreg s20  }
0x1c: {  	s5 =	simm.s32 $0xC600;
	s21 =	simm.s32 $0x280;
	s22 =	simm.s32 $0x300  }
0x1d: {  	s17 =	simm.s32 $0x4;
	s15 =	simm.s32 $0x5;
	[dreg:$0x18] =	wrdreg s23  }
0x1e: {  	s25 =	simm.s32 $0x480;
	[dreg:$0x1a] =	wrdreg s26;
	s18 =	smax.u32 s1, $0x1  }
0x1f: {  	s16 =	simm.s32 $0x6;
	s23 =	rddreg [dreg:$0x5];
	p1 =	sne.s32 s18, $0x1  }
.Ltmp0:
0x20: {  	s30 =	simm.s32 $0x580;
	[dreg:$0x16] =	wrdreg s21;
	(pc) =	sbr.rel @!p1 .LBB2_5-.Ltmp0, $4  }
0x21: {  	s19 =	simm.s32 $0x7;
	s11 =	simm.s32 $0xD;
	[dreg:$0x17] =	wrdreg s22  }
0x22: {  	s20 =	simm.s32 $0x8;
	s8 =	simm.s32 $0xF;
	[dreg:$0x19] =	wrdreg s25  }
0x23: {  	s26 =	simm.s32 $0xA;
	s1 =	simm.s32 $0x1;
	[dreg:$0x1b] =	wrdreg s30  }
0x24: {  	s21 =	simm.s32 $0x10;
	s22 =	sadd.s32 $0xFFFFFFFF, s18;
	s18 =	simm.s32 $0x11  }
0x25: {  	[tilespmem:s2], [sflag:$0x1] =	stream.linear.gather [hbm4b:s23+s2], $0x200, $0x38;
	[tilespmem:$0x1C600] =	vst v63  }
0x26: {  	s25 =	rddreg [dreg:$0x6];
	s30 =	simm.s32 $0x200  }
0x27: {  	[tilespmem:s30], [sflag:$0x2] =	stream.linear.gather [hbm4b:s25+s2], $0x200, $0x38;
	[tilespmem:$0x1C600] =	vst v63  }
0x28: {  	s21 =	rddreg [dreg:$0x7];
	s25 =	simm.s32 $0x400  }
0x29: {  	[tilespmem:s25], [sflag:$0x3] =	stream.linear.gather [hbm4b:s21+s2], $0x200, $0x38;
	[tilespmem:$0x1C600] =	vst v63  }
0x2a: {  	_ =	swait.ge [sflag:s1], $0x200  }
0x2b: {  	[sflag:s1] =	ssyncset.done $0x0  }
0x2c: {  	[sflag:s1] =	ssyncadd.s32 $0xFFFFFE00  }
0x2d: {  	[tilespmem:s12], [sflag:$0x4] =	stream.indirect.gather [hbm4b:s29+s14], $0x80, s2, s14, $0xb8;
	[tilespmem:$0x1C600] =	vst v63  }
0x2e: {  	_ = 	snop  }
0x2f: {  	[tilespmem:s10], [sflag:$0x5] =	stream.indirect.gather [hbm4b:s29+s14], $0x80, s14, s14, $0xb8;
	[tilespmem:$0x1C600] =	vst v63  }
0x30: {  	s23 =	rddreg [dreg:$0x14]  }
0x31: {  	[tilespmem:s7], [sflag:$0x6] =	stream.indirect.gather [hbm4b:s29+s14], $0x80, s23, s14, $0xb8;
	[tilespmem:$0x1C600] =	vst v63  }
0x32: {  	s1 =	rddreg [dreg:$0x15]  }
0x33: {  	[tilespmem:s5], [sflag:$0x7] =	stream.indirect.gather [hbm4b:s29+s14], $0x80, s1, s14, $0xb8;
	[tilespmem:$0x1C600] =	vst v63  }
0x34: {  	_ =	swait.ge [sflag:s0], $0x200  }
0x35: {  	[sflag:s0] =	ssyncset.done $0x0  }
0x36: {  	[sflag:s0] =	ssyncadd.s32 $0xFFFFFE00  }
0x37: {  	[tilespmem:s3], [sflag:$0x8] =	stream.indirect.gather [hbm4b:s24+s14], $0x80, s30, s14, $0xb8;
	[tilespmem:$0x1C600] =	vst v63  }
0x38: {  	s21 =	simm.s32 $0x14600;
	s7 =	rddreg [dreg:$0x16]  }
0x39: {  	[tilespmem:s21], [sflag:$0x9] =	stream.indirect.gather [hbm4b:s24+s14], $0x80, s7, s14, $0xb8;
	[tilespmem:$0x1C600] =	vst v63  }
0x3a: {  	_ =	swait.ge [sflag:s17], $0x4000  }
0x3b: {  	[sflag:s17] =	ssyncset.done $0x0  }
0x3c: {  	s10 =	rddreg [dreg:$0x8];
	[sflag:s17] =	ssyncadd.s32 $0xFFFFC000  }
0x3d: {  	[hbm4b:s10+s2] =	stream.linear.scatter [tilespmem:s12], [sflag:$0xB], $0x4000, $0x38;
	[tilespmem:$0x1C600] =	vst v63  }
0x3e: {  	s26 =	smov.u32 s22;
	s22 =	simm.s32 $0x18600;
	s23 =	rddreg [dreg:$0x17]  }
0x3f: {  	[tilespmem:s22], [sflag:$0xA] =	stream.indirect.gather [hbm4b:s24+s14], $0x80, s23, s14, $0xb8;
	[tilespmem:$0x1C600] =	vst v63  }
0x40: {  	_ =	swait.ge [sflag:s15], $0x4000  }
0x41: {  	[sflag:s15] =	ssyncset.done $0x0  }
0x42: {  	s12 =	simm.s32 $0x4600;
	s22 =	rddreg [dreg:$0x9];
	[sflag:s15] =	ssyncadd.s32 $0xFFFFC000  }
0x43: {  	[hbm4b:s22+s2] =	stream.linear.scatter [tilespmem:s12], [sflag:$0xC], $0x4000, $0x38;
	[tilespmem:$0x1C600] =	vst v63  }
0x44: {  	_ =	swait.ge [sflag:s4], $0x4000  }
0x45: {  	[sflag:s4] =	ssyncset.done $0x0  }
0x46: {  	s28 =	simm.s32 $0x600;
	s22 =	rddreg [dreg:$0x18];
	[sflag:s4] =	ssyncadd.s32 $0xFFFFC000  }
0x47: {  	[tilespmem:s28], [sflag:$0x4] =	stream.indirect.gather [hbm4b:s24+s14], $0x80, s22, s14, $0xb8;
	[tilespmem:$0x1C600] =	vst v63  }
0x48: {  	_ =	swait.ge [sflag:s16], $0x4000  }
0x49: {  	[sflag:s16] =	ssyncset.done $0x0  }
0x4a: {  	s10 =	simm.s32 $0x8600;
	s22 =	rddreg [dreg:$0xa];
	[sflag:s16] =	ssyncadd.s32 $0xFFFFC000  }
0x4b: {  	[hbm4b:s22+s2] =	stream.linear.scatter [tilespmem:s10], [sflag:$0xD], $0x4000, $0x38;
	[tilespmem:$0x1C600] =	vst v63  }
0x4c: {  	_ =	swait.ge [sflag:s6], $0x4000  }
0x4d: {  	[sflag:s6] =	ssyncset.done $0x0  }
0x4e: {  	s1 =	simm.s32 $0x3;
	[sflag:s6] =	ssyncadd.s32 $0xFFFFC000  }
0x4f: {  	_ =	swait.ge [sflag:s1], $0x200  }
0x50: {  	[sflag:s1] =	ssyncset.done $0x0  }
0x51: {  	[sflag:s1] =	ssyncadd.s32 $0xFFFFFE00  }
0x52: {  	[tilespmem:s12], [sflag:$0x5] =	stream.indirect.gather [hbm4b:s13+s14], $0x80, s25, s14, $0xb8;
	[tilespmem:$0x1C600] =	vst v63  }
0x53: {  	_ =	swait.ge [sflag:s19], $0x4000  }
0x54: {  	[sflag:s19] =	ssyncset.done $0x0  }
0x55: {  	s7 =	simm.s32 $0xC600;
	s25 =	rddreg [dreg:$0xb];
	[sflag:s19] =	ssyncadd.s32 $0xFFFFC000  }
0x56: {  	[hbm4b:s25+s2] =	stream.linear.scatter [tilespmem:s7], [sflag:$0xE], $0x4000, $0x38;
	[tilespmem:$0x1C600] =	vst v63  }
0x57: {  	_ =	swait.ge [sflag:s11], $0x4000  }
0x58: {  	[sflag:s11] =	ssyncset.done $0x0  }
0x59: {  	s25 =	rddreg [dreg:$0x19];
	[sflag:s11] =	ssyncadd.s32 $0xFFFFC000  }
0x5a: {  	[tilespmem:s10], [sflag:$0x6] =	stream.indirect.gather [hbm4b:s13+s14], $0x80, s25, s14, $0xb8;
	[tilespmem:$0x1C600] =	vst v63  }
0x5b: {  	_ =	swait.ge [sflag:s20], $0x4000  }
0x5c: {  	[sflag:s20] =	ssyncset.done $0x0  }
0x5d: {  	s5 =	simm.s32 $0x10600;
	s25 =	rddreg [dreg:$0xc];
	[sflag:s20] =	ssyncadd.s32 $0xFFFFC000  }
0x5e: {  	[hbm4b:s25+s2] =	stream.linear.scatter [tilespmem:s5], [sflag:$0xF], $0x4000, $0x38;
	[tilespmem:$0x1C600] =	vst v63  }
0x5f: {  	_ =	swait.ge [sflag:s9], $0x4000  }
0x60: {  	[sflag:s9] =	ssyncset.done $0x0  }
0x61: {  	s31 =	simm.s32 $0x9;
	s25 =	rddreg [dreg:$0x1a];
	[sflag:s9] =	ssyncadd.s32 $0xFFFFC000  }
0x62: {  	[tilespmem:s7], [sflag:$0x7] =	stream.indirect.gather [hbm4b:s13+s14], $0x80, s25, s14, $0xb8;
	[tilespmem:$0x1C600] =	vst v63  }
0x63: {  	_ =	swait.ge [sflag:s31], $0x4000  }
0x64: {  	[sflag:s31] =	ssyncset.done $0x0  }
0x65: {  	s25 =	rddreg [dreg:$0xd];
	[sflag:s31] =	ssyncadd.s32 $0xFFFFC000  }
0x66: {  	[hbm4b:s25+s2] =	stream.linear.scatter [tilespmem:s21], [sflag:$0x10], $0x4000, $0x38;
	[tilespmem:$0x1C600] =	vst v63  }
0x67: {  	_ =	swait.ge [sflag:s8], $0x4000  }
0x68: {  	[sflag:s8] =	ssyncset.done $0x0  }
0x69: {  	s30 =	simm.s32 $0xA;
	s25 =	rddreg [dreg:$0x1b];
	[sflag:s8] =	ssyncadd.s32 $0xFFFFC000  }
0x6a: {  	[tilespmem:s5], [sflag:$0x8] =	stream.indirect.gather [hbm4b:s13+s14], $0x80, s25, s14, $0xb8;
	[tilespmem:$0x1C600] =	vst v63  }
0x6b: {  	_ =	swait.ge [sflag:s30], $0x4000  }
0x6c: {  	[sflag:s30] =	ssyncset.done $0x0  }
0x6d: {  	s23 =	simm.s32 $0x18600;
	s25 =	rddreg [dreg:$0xe];
	[sflag:s30] =	ssyncadd.s32 $0xFFFFC000  }
0x6e: {  	[hbm4b:s25+s2] =	stream.linear.scatter [tilespmem:s23], [sflag:$0x11], $0x4000, $0x38;
	[tilespmem:$0x1C600] =	vst v63  }
0x6f: {  	_ =	swait.ge [sflag:s17], $0x4000  }
0x70: {  	[sflag:s17] =	ssyncset.done $0x0  }
0x71: {  	s25 =	rddreg [dreg:$0xf];
	[sflag:s17] =	ssyncadd.s32 $0xFFFFC000  }
0x72: {  	[hbm4b:s25+s2] =	stream.linear.scatter [tilespmem:s28], [sflag:$0xB], $0x4000, $0x38;
	[tilespmem:$0x1C600] =	vst v63  }
0x73: {  	_ =	swait.ge [sflag:s15], $0x4000  }
0x74: {  	[sflag:s15] =	ssyncset.done $0x0  }
0x75: {  	s30 =	rddreg [dreg:$0x10];
	[sflag:s15] =	ssyncadd.s32 $0xFFFFC000  }
0x76: {  	[hbm4b:s30+s2] =	stream.linear.scatter [tilespmem:s12], [sflag:$0xC], $0x4000, $0x38;
	[tilespmem:$0x1C600] =	vst v63  }
0x77: {  	_ =	swait.ge [sflag:s16], $0x4000  }
0x78: {  	[sflag:s16] =	ssyncset.done $0x0  }
0x79: {  	s23 =	rddreg [dreg:$0x11];
	[sflag:s16] =	ssyncadd.s32 $0xFFFFC000  }
0x7a: {  	[hbm4b:s23+s2] =	stream.linear.scatter [tilespmem:s10], [sflag:$0xD], $0x4000, $0x38;
	[tilespmem:$0x1C600] =	vst v63  }
0x7b: {  	_ =	swait.ge [sflag:s19], $0x4000  }
0x7c: {  	[sflag:s19] =	ssyncset.done $0x0  }
0x7d: {  	s25 =	rddreg [dreg:$0x12];
	[sflag:s19] =	ssyncadd.s32 $0xFFFFC000  }
0x7e: {  	[hbm4b:s25+s2] =	stream.linear.scatter [tilespmem:s7], [sflag:$0xE], $0x4000, $0x38;
	[tilespmem:$0x1C600] =	vst v63  }
0x7f: {  	_ =	swait.ge [sflag:s20], $0x4000  }
0x80: {  	[sflag:s20] =	ssyncset.done $0x0  }
0x81: {  	s21 =	simm.s32 $0x10;
	s30 =	rddreg [dreg:$0x13];
	[sflag:s20] =	ssyncadd.s32 $0xFFFFC000  }
0x82: {  	[hbm4b:s30+s2] =	stream.linear.scatter [tilespmem:s5], [sflag:$0xF], $0x4000, $0x38;
	[tilespmem:$0x1C600] =	vst v63  }
0x83: {  	_ =	swait.ge [sflag:s21], $0x4000  }
0x84: {  	[sflag:s21] =	ssyncset.done $0x0  }
0x85: {  	[sflag:s21] =	ssyncadd.s32 $0xFFFFC000  }
0x86: {  	_ =	swait.ge [sflag:s18], $0x4000  }
0x87: {  	[sflag:s18] =	ssyncset.done $0x0  }
0x88: {  	[sflag:s18] =	ssyncadd.s32 $0xFFFFC000  }
0x89: {  	_ =	swait.ge [sflag:s4], $0x4000  }
0x8a: {  	[sflag:s4] =	ssyncset.done $0x0  }
0x8b: {  	[sflag:s4] =	ssyncadd.s32 $0xFFFFC000  }
0x8c: {  	_ =	swait.ge [sflag:s6], $0x4000  }
0x8d: {  	[sflag:s6] =	ssyncset.done $0x0  }
0x8e: {  	[sflag:s6] =	ssyncadd.s32 $0xFFFFC000  }
0x8f: {  	_ =	swait.ge [sflag:s11], $0x4000  }
0x90: {  	[sflag:s11] =	ssyncset.done $0x0  }
0x91: {  	p1 =	sne.s32 s26, $0x1;
	[sflag:s11] =	ssyncadd.s32 $0xFFFFC000  }
.Ltmp1:
0x92: {  	_ =	swait.ge [sflag:s9], $0x4000;
	(pc) =	sbr.rel @!p1 .LBB2_6-.Ltmp1, $4  }
0x93: {  	[sflag:s9] =	ssyncset.done $0x0  }
0x94: {  	p0 =	por $0x1, $0x1;
	[sflag:s9] =	ssyncadd.s32 $0xFFFFC000  }
0x95: {  	s0 =	simm.s32 $0x1;
	s3 =	simm.s32 $0x2;
	_ =	swait.ge [sflag:s8], $0x4000  }
0x96: {  	s22 =	sadd.s32 $0xFFFFFFFF, s26;
	s23 =	rddreg [dreg:$0x5];
	[sflag:s8] =	ssyncset.done $0x0  }
0x97: {  	s30 =	simm.s32 $0x400;
	s26 =	simm.s32 $0x18600  }
.LBB2_3:
0x98: {  	[sflag:s8] =	ssyncadd.s32 $0xFFFFC000  }
0x99: {  	[tilespmem:s2], [sflag:$0x1] =	stream.linear.gather [hbm4b:s23+s2], $0x200, $0x38;
	[tilespmem:$0x1C600] =	vst v63  }
0x9a: {  	s25 =	rddreg [dreg:$0x6];
	s18 =	simm.s32 $0x200  }
0x9b: {  	[tilespmem:s18], [sflag:$0x2] =	stream.linear.gather [hbm4b:s25+s2], $0x200, $0x38;
	[tilespmem:$0x1C600] =	vst v63  }
0x9c: {  	s21 =	rddreg [dreg:$0x7]  }
0x9d: {  	[tilespmem:s30], [sflag:$0x3] =	stream.linear.gather [hbm4b:s21+s2], $0x200, $0x38;
	[tilespmem:$0x1C600] =	vst v63  }
0x9e: {  	_ =	swait.ge [sflag:s0], $0x200  }
0x9f: {  	[sflag:s0] =	ssyncset.done $0x0  }
0xa0: {  	[sflag:s0] =	ssyncadd.s32 $0xFFFFFE00  }
0xa1: {  	[tilespmem:s28], [sflag:$0x4] =	stream.indirect.gather [hbm4b:s29+s14], $0x80, s2, s14, $0xb8;
	[tilespmem:$0x1C600] =	vst v63  }
0xa2: {  	_ = 	snop  }
0xa3: {  	[tilespmem:s12], [sflag:$0x5] =	stream.indirect.gather [hbm4b:s29+s14], $0x80, s14, s14, $0xb8;
	[tilespmem:$0x1C600] =	vst v63  }
0xa4: {  	s25 =	rddreg [dreg:$0x14]  }
0xa5: {  	[tilespmem:s10], [sflag:$0x6] =	stream.indirect.gather [hbm4b:s29+s14], $0x80, s25, s14, $0xb8;
	[tilespmem:$0x1C600] =	vst v63  }
0xa6: {  	s21 =	rddreg [dreg:$0x15]  }
0xa7: {  	[tilespmem:s7], [sflag:$0x7] =	stream.indirect.gather [hbm4b:s29+s14], $0x80, s21, s14, $0xb8;
	[tilespmem:$0x1C600] =	vst v63  }
0xa8: {  	_ =	swait.ge [sflag:s3], $0x200  }
0xa9: {  	[sflag:s3] =	ssyncset.done $0x0  }
0xaa: {  	[sflag:s3] =	ssyncadd.s32 $0xFFFFFE00  }
0xab: {  	[tilespmem:s5], [sflag:$0x8] =	stream.indirect.gather [hbm4b:s24+s14], $0x80, s18, s14, $0xb8;
	[tilespmem:$0x1C600] =	vst v63  }
0xac: {  	s21 =	simm.s32 $0x14600;
	s25 =	rddreg [dreg:$0x16]  }
0xad: {  	[tilespmem:s21], [sflag:$0x9] =	stream.indirect.gather [hbm4b:s24+s14], $0x80, s25, s14, $0xb8;
	[tilespmem:$0x1C600] =	vst v63  }
0xae: {  	_ =	swait.ge [sflag:s17], $0x4000  }
0xaf: {  	[sflag:s17] =	ssyncset.done $0x0  }
0xb0: {  	s23 =	rddreg [dreg:$0x8];
	[sflag:s17] =	ssyncadd.s32 $0xFFFFC000  }
0xb1: {  	[hbm4b:s23+s2] =	stream.linear.scatter [tilespmem:s28], [sflag:$0xB], $0x4000, $0x38;
	[tilespmem:$0x1C600] =	vst v63  }
0xb2: {  	s25 =	rddreg [dreg:$0x17]  }
0xb3: {  	[tilespmem:s26], [sflag:$0xA] =	stream.indirect.gather [hbm4b:s24+s14], $0x80, s25, s14, $0xb8;
	[tilespmem:$0x1C600] =	vst v63  }
0xb4: {  	_ =	swait.ge [sflag:s15], $0x4000  }
0xb5: {  	[sflag:s15] =	ssyncset.done $0x0  }
0xb6: {  	s25 =	rddreg [dreg:$0x9];
	[sflag:s15] =	ssyncadd.s32 $0xFFFFC000  }
0xb7: {  	[hbm4b:s25+s2] =	stream.linear.scatter [tilespmem:s12], [sflag:$0xC], $0x4000, $0x38;
	[tilespmem:$0x1C600] =	vst v63  }
0xb8: {  	_ =	swait.ge [sflag:s4], $0x4000  }
0xb9: {  	[sflag:s4] =	ssyncset.done $0x0  }
0xba: {  	s25 =	rddreg [dreg:$0x18];
	[sflag:s4] =	ssyncadd.s32 $0xFFFFC000  }
0xbb: {  	[tilespmem:s28], [sflag:$0x4] =	stream.indirect.gather [hbm4b:s24+s14], $0x80, s25, s14, $0xb8;
	[tilespmem:$0x1C600] =	vst v63  }
0xbc: {  	_ =	swait.ge [sflag:s16], $0x4000  }
0xbd: {  	[sflag:s16] =	ssyncset.done $0x0  }
0xbe: {  	s25 =	rddreg [dreg:$0xa];
	[sflag:s16] =	ssyncadd.s32 $0xFFFFC000  }
0xbf: {  	[hbm4b:s25+s2] =	stream.linear.scatter [tilespmem:s10], [sflag:$0xD], $0x4000, $0x38;
	[tilespmem:$0x1C600] =	vst v63  }
0xc0: {  	_ =	swait.ge [sflag:s6], $0x4000  }
0xc1: {  	[sflag:s6] =	ssyncset.done $0x0  }
0xc2: {  	[sflag:s6] =	ssyncadd.s32 $0xFFFFC000  }
0xc3: {  	_ =	swait.ge [sflag:s1], $0x200  }
0xc4: {  	[sflag:s1] =	ssyncset.done $0x0  }
0xc5: {  	[sflag:s1] =	ssyncadd.s32 $0xFFFFFE00  }
0xc6: {  	[tilespmem:s12], [sflag:$0x5] =	stream.indirect.gather [hbm4b:s13+s14], $0x80, s30, s14, $0xb8;
	[tilespmem:$0x1C600] =	vst v63  }
0xc7: {  	_ =	swait.ge [sflag:s19], $0x4000  }
0xc8: {  	[sflag:s19] =	ssyncset.done $0x0  }
0xc9: {  	s25 =	rddreg [dreg:$0xb];
	[sflag:s19] =	ssyncadd.s32 $0xFFFFC000  }
0xca: {  	[hbm4b:s25+s2] =	stream.linear.scatter [tilespmem:s7], [sflag:$0xE], $0x4000, $0x38;
	[tilespmem:$0x1C600] =	vst v63  }
0xcb: {  	_ =	swait.ge [sflag:s11], $0x4000  }
0xcc: {  	[sflag:s11] =	ssyncset.done $0x0  }
0xcd: {  	s25 =	rddreg [dreg:$0x19];
	[sflag:s11] =	ssyncadd.s32 $0xFFFFC000  }
0xce: {  	[tilespmem:s10], [sflag:$0x6] =	stream.indirect.gather [hbm4b:s13+s14], $0x80, s25, s14, $0xb8;
	[tilespmem:$0x1C600] =	vst v63  }
0xcf: {  	_ =	swait.ge [sflag:s20], $0x4000  }
0xd0: {  	[sflag:s20] =	ssyncset.done $0x0  }
0xd1: {  	s25 =	rddreg [dreg:$0xc];
	[sflag:s20] =	ssyncadd.s32 $0xFFFFC000  }
0xd2: {  	[hbm4b:s25+s2] =	stream.linear.scatter [tilespmem:s5], [sflag:$0xF], $0x4000, $0x38;
	[tilespmem:$0x1C600] =	vst v63  }
0xd3: {  	_ =	swait.ge [sflag:s9], $0x4000  }
0xd4: {  	[sflag:s9] =	ssyncset.done $0x0  }
0xd5: {  	s25 =	rddreg [dreg:$0x1a];
	[sflag:s9] =	ssyncadd.s32 $0xFFFFC000  }
0xd6: {  	[tilespmem:s7], [sflag:$0x7] =	stream.indirect.gather [hbm4b:s13+s14], $0x80, s25, s14, $0xb8;
	[tilespmem:$0x1C600] =	vst v63  }
0xd7: {  	_ =	swait.ge [sflag:s31], $0x4000  }
0xd8: {  	[sflag:s31] =	ssyncset.done $0x0  }
0xd9: {  	s25 =	rddreg [dreg:$0xd];
	[sflag:s31] =	ssyncadd.s32 $0xFFFFC000  }
0xda: {  	[hbm4b:s25+s2] =	stream.linear.scatter [tilespmem:s21], [sflag:$0x10], $0x4000, $0x38;
	[tilespmem:$0x1C600] =	vst v63  }
0xdb: {  	_ =	swait.ge [sflag:s8], $0x4000  }
0xdc: {  	[sflag:s8] =	ssyncset.done $0x0  }
0xdd: {  	s25 =	rddreg [dreg:$0x1b];
	[sflag:s8] =	ssyncadd.s32 $0xFFFFC000  }
0xde: {  	[tilespmem:s5], [sflag:$0x8] =	stream.indirect.gather [hbm4b:s13+s14], $0x80, s25, s14, $0xb8;
	[tilespmem:$0x1C600] =	vst v63  }
0xdf: {  	s25 =	simm.s32 $0xA  }
0xe0: {  	_ =	swait.ge [sflag:s25], $0x4000  }
0xe1: {  	[sflag:s25] =	ssyncset.done $0x0  }
0xe2: {  	s23 =	rddreg [dreg:$0xe];
	[sflag:s25] =	ssyncadd.s32 $0xFFFFC000  }
0xe3: {  	[hbm4b:s23+s2] =	stream.linear.scatter [tilespmem:s26], [sflag:$0x11], $0x4000, $0x38;
	[tilespmem:$0x1C600] =	vst v63  }
0xe4: {  	_ =	swait.ge [sflag:s17], $0x4000  }
0xe5: {  	[sflag:s17] =	ssyncset.done $0x0  }
0xe6: {  	s25 =	rddreg [dreg:$0xf];
	[sflag:s17] =	ssyncadd.s32 $0xFFFFC000  }
0xe7: {  	[hbm4b:s25+s2] =	stream.linear.scatter [tilespmem:s28], [sflag:$0xB], $0x4000, $0x38;
	[tilespmem:$0x1C600] =	vst v63  }
0xe8: {  	_ =	swait.ge [sflag:s15], $0x4000  }
0xe9: {  	[sflag:s15] =	ssyncset.done $0x0  }
0xea: {  	s25 =	rddreg [dreg:$0x10];
	[sflag:s15] =	ssyncadd.s32 $0xFFFFC000  }
0xeb: {  	[hbm4b:s25+s2] =	stream.linear.scatter [tilespmem:s12], [sflag:$0xC], $0x4000, $0x38;
	[tilespmem:$0x1C600] =	vst v63  }
0xec: {  	_ =	swait.ge [sflag:s16], $0x4000  }
0xed: {  	[sflag:s16] =	ssyncset.done $0x0  }
0xee: {  	s25 =	rddreg [dreg:$0x11];
	[sflag:s16] =	ssyncadd.s32 $0xFFFFC000  }
0xef: {  	[hbm4b:s25+s2] =	stream.linear.scatter [tilespmem:s10], [sflag:$0xD], $0x4000, $0x38;
	[tilespmem:$0x1C600] =	vst v63  }
0xf0: {  	_ =	swait.ge [sflag:s19], $0x4000  }
0xf1: {  	[sflag:s19] =	ssyncset.done $0x0  }
0xf2: {  	s25 =	rddreg [dreg:$0x12];
	[sflag:s19] =	ssyncadd.s32 $0xFFFFC000  }
0xf3: {  	[hbm4b:s25+s2] =	stream.linear.scatter [tilespmem:s7], [sflag:$0xE], $0x4000, $0x38;
	[tilespmem:$0x1C600] =	vst v63  }
0xf4: {  	_ =	swait.ge [sflag:s20], $0x4000  }
0xf5: {  	[sflag:s20] =	ssyncset.done $0x0  }
0xf6: {  	s21 =	simm.s32 $0x10;
	s25 =	rddreg [dreg:$0x13];
	[sflag:s20] =	ssyncadd.s32 $0xFFFFC000  }
0xf7: {  	[hbm4b:s25+s2] =	stream.linear.scatter [tilespmem:s5], [sflag:$0xF], $0x4000, $0x38;
	[tilespmem:$0x1C600] =	vst v63  }
0xf8: {  	_ =	swait.ge [sflag:s21], $0x4000  }
0xf9: {  	[sflag:s21] =	ssyncset.done $0x0  }
0xfa: {  	s18 =	simm.s32 $0x11;
	[sflag:s21] =	ssyncadd.s32 $0xFFFFC000  }
0xfb: {  	_ =	swait.ge [sflag:s18], $0x4000  }
0xfc: {  	[sflag:s18] =	ssyncset.done $0x0  }
0xfd: {  	[sflag:s18] =	ssyncadd.s32 $0xFFFFC000  }
0xfe: {  	_ =	swait.ge [sflag:s4], $0x4000  }
0xff: {  	[sflag:s4] =	ssyncset.done $0x0  }
0x100: {  	[sflag:s4] =	ssyncadd.s32 $0xFFFFC000  }
0x101: {  	_ =	swait.ge [sflag:s6], $0x4000  }
0x102: {  	[sflag:s6] =	ssyncset.done $0x0  }
0x103: {  	[sflag:s6] =	ssyncadd.s32 $0xFFFFC000  }
0x104: {  	_ =	swait.ge [sflag:s11], $0x4000  }
0x105: {  	[sflag:s11] =	ssyncset.done $0x0  }
0x106: {  	p1 =	sne.s32 s22, $0x1;
	[sflag:s11] =	ssyncadd.s32 $0xFFFFC000  }
.Ltmp2:
0x107: {  	_ =	swait.ge [sflag:s9], $0x4000;
	(pc) =	sbr.rel @p1 .LBB2_3-.Ltmp2, $4  }
0x108: {  	[sflag:s9] =	ssyncset.done $0x0  }
0x109: {  	[sflag:s9] =	ssyncadd.s32 $0xFFFFC000  }
0x10a: {  	_ =	swait.ge [sflag:s8], $0x4000  }
0x10b: {  	s22 =	sadd.s32 $0xFFFFFFFF, s22;
	s23 =	rddreg [dreg:$0x5];
	[sflag:s8] =	ssyncset.done $0x0  }
0x10c: {  	s26 =	simm.s32 $0xA  }
0x10d: {  	s28 =	simm.s32 $0x9;
	s31 =	simm.s32 $0x3;
	s1 =	simm.s32 $0x1  }
0x10e: {  	s0 =	simm.s32 $0x2;
	s3 =	simm.s32 $0x10600;
	s5 =	simm.s32 $0xC600  }
0x10f: {  	s7 =	simm.s32 $0x8600;
	s10 =	simm.s32 $0x4600;
	s12 =	simm.s32 $0x600  }
.LBB2_5:
0x110: {  	[sflag:s8] =	ssyncadd.s32 @p0 $0xFFFFC000  }
0x111: {  	[tilespmem:s2], [sflag:$0x1] =	stream.linear.gather [hbm4b:s23+s2], $0x200, $0x38;
	[tilespmem:$0x1C600] =	vst v63  }
0x112: {  	s22 =	rddreg [dreg:$0x6];
	s25 =	simm.s32 $0x200  }
0x113: {  	[tilespmem:s25], [sflag:$0x2] =	stream.linear.gather [hbm4b:s22+s2], $0x200, $0x38;
	[tilespmem:$0x1C600] =	vst v63  }
0x114: {  	s30 =	simm.s32 $0x400;
	s23 =	rddreg [dreg:$0x7]  }
0x115: {  	[tilespmem:s30], [sflag:$0x3] =	stream.linear.gather [hbm4b:s23+s2], $0x200, $0x38;
	[tilespmem:$0x1C600] =	vst v63  }
0x116: {  	_ =	swait.ge [sflag:s1], $0x200  }
0x117: {  	[sflag:s1] =	ssyncset.done $0x0  }
0x118: {  	[sflag:s1] =	ssyncadd.s32 $0xFFFFFE00  }
0x119: {  	[tilespmem:s12], [sflag:$0x4] =	stream.indirect.gather [hbm4b:s29+s14], $0x80, s2, s14, $0xb8;
	[tilespmem:$0x1C600] =	vst v63  }
0x11a: {  	_ = 	snop  }
0x11b: {  	[tilespmem:s10], [sflag:$0x5] =	stream.indirect.gather [hbm4b:s29+s14], $0x80, s14, s14, $0xb8;
	[tilespmem:$0x1C600] =	vst v63  }
0x11c: {  	s22 =	rddreg [dreg:$0x14]  }
0x11d: {  	[tilespmem:s7], [sflag:$0x6] =	stream.indirect.gather [hbm4b:s29+s14], $0x80, s22, s14, $0xb8;
	[tilespmem:$0x1C600] =	vst v63  }
0x11e: {  	s23 =	rddreg [dreg:$0x15]  }
0x11f: {  	[tilespmem:s5], [sflag:$0x7] =	stream.indirect.gather [hbm4b:s29+s14], $0x80, s23, s14, $0xb8;
	[tilespmem:$0x1C600] =	vst v63  }
0x120: {  	_ =	swait.ge [sflag:s0], $0x200  }
0x121: {  	[sflag:s0] =	ssyncset.done $0x0  }
0x122: {  	[sflag:s0] =	ssyncadd.s32 $0xFFFFFE00  }
0x123: {  	[tilespmem:s3], [sflag:$0x8] =	stream.indirect.gather [hbm4b:s24+s14], $0x80, s25, s14, $0xb8;
	[tilespmem:$0x1C600] =	vst v63  }
0x124: {  	s23 =	simm.s32 $0x14600;
	s1 =	rddreg [dreg:$0x16]  }
0x125: {  	[tilespmem:s23], [sflag:$0x9] =	stream.indirect.gather [hbm4b:s24+s14], $0x80, s1, s14, $0xb8;
	[tilespmem:$0x1C600] =	vst v63  }
0x126: {  	_ =	swait.ge [sflag:s17], $0x4000  }
0x127: {  	[sflag:s17] =	ssyncset.done $0x0  }
0x128: {  	s22 =	rddreg [dreg:$0x8];
	[sflag:s17] =	ssyncadd.s32 $0xFFFFC000  }
0x129: {  	[hbm4b:s22+s2] =	stream.linear.scatter [tilespmem:s12], [sflag:$0xB], $0x4000, $0x38;
	[tilespmem:$0x1C600] =	vst v63  }
0x12a: {  	s25 =	rddreg [dreg:$0x17];
	s22 =	simm.s32 $0x18600  }
0x12b: {  	[tilespmem:s22], [sflag:$0xA] =	stream.indirect.gather [hbm4b:s24+s14], $0x80, s25, s14, $0xb8;
	[tilespmem:$0x1C600] =	vst v63  }
0x12c: {  	_ =	swait.ge [sflag:s15], $0x4000  }
0x12d: {  	[sflag:s15] =	ssyncset.done $0x0  }
0x12e: {  	s29 =	rddreg [dreg:$0x9];
	[sflag:s15] =	ssyncadd.s32 $0xFFFFC000  }
0x12f: {  	[hbm4b:s29+s2] =	stream.linear.scatter [tilespmem:s10], [sflag:$0xC], $0x4000, $0x38;
	[tilespmem:$0x1C600] =	vst v63  }
0x130: {  	_ =	swait.ge [sflag:s4], $0x4000  }
0x131: {  	[sflag:s4] =	ssyncset.done $0x0  }
0x132: {  	s1 =	rddreg [dreg:$0x18];
	[sflag:s4] =	ssyncadd.s32 $0xFFFFC000  }
0x133: {  	[tilespmem:s12], [sflag:$0x4] =	stream.indirect.gather [hbm4b:s24+s14], $0x80, s1, s14, $0xb8;
	[tilespmem:$0x1C600] =	vst v63  }
0x134: {  	_ =	swait.ge [sflag:s16], $0x4000  }
0x135: {  	[sflag:s16] =	ssyncset.done $0x0  }
0x136: {  	s24 =	rddreg [dreg:$0xa];
	[sflag:s16] =	ssyncadd.s32 $0xFFFFC000  }
0x137: {  	[hbm4b:s24+s2] =	stream.linear.scatter [tilespmem:s7], [sflag:$0xD], $0x4000, $0x38;
	[tilespmem:$0x1C600] =	vst v63  }
0x138: {  	_ =	swait.ge [sflag:s6], $0x4000  }
0x139: {  	[sflag:s6] =	ssyncset.done $0x0  }
0x13a: {  	[sflag:s6] =	ssyncadd.s32 $0xFFFFC000  }
0x13b: {  	_ =	swait.ge [sflag:s31], $0x200  }
0x13c: {  	[sflag:s31] =	ssyncset.done $0x0  }
0x13d: {  	[sflag:s31] =	ssyncadd.s32 $0xFFFFFE00  }
0x13e: {  	[tilespmem:s10], [sflag:$0x5] =	stream.indirect.gather [hbm4b:s13+s14], $0x80, s30, s14, $0xb8;
	[tilespmem:$0x1C600] =	vst v63  }
0x13f: {  	_ =	swait.ge [sflag:s19], $0x4000  }
0x140: {  	[sflag:s19] =	ssyncset.done $0x0  }
0x141: {  	s25 =	rddreg [dreg:$0xb];
	[sflag:s19] =	ssyncadd.s32 $0xFFFFC000  }
0x142: {  	[hbm4b:s25+s2] =	stream.linear.scatter [tilespmem:s5], [sflag:$0xE], $0x4000, $0x38;
	[tilespmem:$0x1C600] =	vst v63  }
0x143: {  	_ =	swait.ge [sflag:s11], $0x4000  }
0x144: {  	[sflag:s11] =	ssyncset.done $0x0  }
0x145: {  	s29 =	rddreg [dreg:$0x19];
	[sflag:s11] =	ssyncadd.s32 $0xFFFFC000  }
0x146: {  	[tilespmem:s7], [sflag:$0x6] =	stream.indirect.gather [hbm4b:s13+s14], $0x80, s29, s14, $0xb8;
	[tilespmem:$0x1C600] =	vst v63  }
0x147: {  	_ =	swait.ge [sflag:s20], $0x4000  }
0x148: {  	[sflag:s20] =	ssyncset.done $0x0  }
0x149: {  	s30 =	rddreg [dreg:$0xc];
	[sflag:s20] =	ssyncadd.s32 $0xFFFFC000  }
0x14a: {  	[hbm4b:s30+s2] =	stream.linear.scatter [tilespmem:s3], [sflag:$0xF], $0x4000, $0x38;
	[tilespmem:$0x1C600] =	vst v63  }
0x14b: {  	_ =	swait.ge [sflag:s9], $0x4000  }
0x14c: {  	[sflag:s9] =	ssyncset.done $0x0  }
0x14d: {  	s31 =	rddreg [dreg:$0x1a];
	[sflag:s9] =	ssyncadd.s32 $0xFFFFC000  }
0x14e: {  	[tilespmem:s5], [sflag:$0x7] =	stream.indirect.gather [hbm4b:s13+s14], $0x80, s31, s14, $0xb8;
	[tilespmem:$0x1C600] =	vst v63  }
0x14f: {  	_ =	swait.ge [sflag:s28], $0x4000  }
0x150: {  	[sflag:s28] =	ssyncset.done $0x0  }
0x151: {  	s1 =	rddreg [dreg:$0xd];
	[sflag:s28] =	ssyncadd.s32 $0xFFFFC000  }
0x152: {  	[hbm4b:s1+s2] =	stream.linear.scatter [tilespmem:s23], [sflag:$0x10], $0x4000, $0x38;
	[tilespmem:$0x1C600] =	vst v63  }
0x153: {  	_ =	swait.ge [sflag:s8], $0x4000  }
0x154: {  	[sflag:s8] =	ssyncset.done $0x0  }
0x155: {  	s23 =	rddreg [dreg:$0x1b];
	[sflag:s8] =	ssyncadd.s32 $0xFFFFC000  }
0x156: {  	[tilespmem:s3], [sflag:$0x8] =	stream.indirect.gather [hbm4b:s13+s14], $0x80, s23, s14, $0xb8;
	[tilespmem:$0x1C600] =	vst v63  }
0x157: {  	_ =	swait.ge [sflag:s26], $0x4000  }
0x158: {  	[sflag:s26] =	ssyncset.done $0x0  }
0x159: {  	s24 =	rddreg [dreg:$0xe];
	[sflag:s26] =	ssyncadd.s32 $0xFFFFC000  }
0x15a: {  	[hbm4b:s24+s2] =	stream.linear.scatter [tilespmem:s22], [sflag:$0x11], $0x4000, $0x38;
	[tilespmem:$0x1C600] =	vst v63  }
0x15b: {  	_ =	swait.ge [sflag:s17], $0x4000  }
0x15c: {  	[sflag:s17] =	ssyncset.done $0x0  }
0x15d: {  	s25 =	rddreg [dreg:$0xf];
	[sflag:s17] =	ssyncadd.s32 $0xFFFFC000  }
0x15e: {  	[hbm4b:s25+s2] =	stream.linear.scatter [tilespmem:s12], [sflag:$0xB], $0x4000, $0x38;
	[tilespmem:$0x1C600] =	vst v63  }
0x15f: {  	_ =	swait.ge [sflag:s15], $0x4000  }
0x160: {  	[sflag:s15] =	ssyncset.done $0x0  }
0x161: {  	s26 =	rddreg [dreg:$0x10];
	[sflag:s15] =	ssyncadd.s32 $0xFFFFC000  }
0x162: {  	[hbm4b:s26+s2] =	stream.linear.scatter [tilespmem:s10], [sflag:$0xC], $0x4000, $0x38;
	[tilespmem:$0x1C600] =	vst v63  }
0x163: {  	_ =	swait.ge [sflag:s16], $0x4000  }
0x164: {  	[sflag:s16] =	ssyncset.done $0x0  }
0x165: {  	s28 =	rddreg [dreg:$0x11];
	[sflag:s16] =	ssyncadd.s32 $0xFFFFC000  }
0x166: {  	[hbm4b:s28+s2] =	stream.linear.scatter [tilespmem:s7], [sflag:$0xD], $0x4000, $0x38;
	[tilespmem:$0x1C600] =	vst v63  }
0x167: {  	_ =	swait.ge [sflag:s19], $0x4000  }
0x168: {  	[sflag:s19] =	ssyncset.done $0x0  }
0x169: {  	s29 =	rddreg [dreg:$0x12];
	[sflag:s19] =	ssyncadd.s32 $0xFFFFC000  }
0x16a: {  	[hbm4b:s29+s2] =	stream.linear.scatter [tilespmem:s5], [sflag:$0xE], $0x4000, $0x38;
	[tilespmem:$0x1C600] =	vst v63  }
0x16b: {  	_ =	swait.ge [sflag:s20], $0x4000  }
0x16c: {  	[sflag:s20] =	ssyncset.done $0x0  }
0x16d: {  	s30 =	rddreg [dreg:$0x13];
	[sflag:s20] =	ssyncadd.s32 $0xFFFFC000  }
0x16e: {  	[hbm4b:s30+s2] =	stream.linear.scatter [tilespmem:s3], [sflag:$0xF], $0x4000, $0x38;
	[tilespmem:$0x1C600] =	vst v63  }
0x16f: {  	_ =	swait.ge [sflag:s21], $0x4000  }
0x170: {  	[sflag:s21] =	ssyncset.done $0x0  }
0x171: {  	[sflag:s21] =	ssyncadd.s32 $0xFFFFC000  }
0x172: {  	_ =	swait.ge [sflag:s18], $0x4000  }
0x173: {  	[sflag:s18] =	ssyncset.done $0x0  }
0x174: {  	[sflag:s18] =	ssyncadd.s32 $0xFFFFC000  }
0x175: {  	_ =	swait.ge [sflag:s4], $0x4000  }
0x176: {  	[sflag:s4] =	ssyncset.done $0x0  }
0x177: {  	[sflag:s4] =	ssyncadd.s32 $0xFFFFC000  }
0x178: {  	_ =	swait.ge [sflag:s6], $0x4000  }
0x179: {  	[sflag:s6] =	ssyncset.done $0x0  }
0x17a: {  	[sflag:s6] =	ssyncadd.s32 $0xFFFFC000  }
0x17b: {  	_ =	swait.ge [sflag:s11], $0x4000  }
0x17c: {  	[sflag:s11] =	ssyncset.done $0x0  }
0x17d: {  	[sflag:s11] =	ssyncadd.s32 $0xFFFFC000  }
0x17e: {  	_ =	swait.ge [sflag:s9], $0x4000  }
0x17f: {  	[sflag:s9] =	ssyncset.done $0x0  }
0x180: {  	[sflag:s9] =	ssyncadd.s32 $0xFFFFC000  }
0x181: {  	_ =	swait.ge [sflag:s8], $0x4000  }
0x182: {  	[sflag:s8] =	ssyncset.done $0x0  }
0x183: {  	[sflag:s8] =	ssyncadd.s32 $0xFFFFC000  }
0x184: {  	_ =	sfence.sel $0x180000  }
0x185: {  	[bflag:$0x0] =	sbarrier.arrive $0xFFFF  }
0x186: {  	_ =	strace $0x90000047  }
0x187: {  	s31 =	stileid.u32;
	[bflag:$0x2] =	sbarrier.arrive $0xFFFF  }
0x188: {  	p0 =	sne.s32 s31, $0x0;
	s0 =	rddreg [dreg:$0x4]  }
0x189: {  	s0 =	sadd.s32 @!p0 $0x100000, s0  }
0x18a: {  	[sflag:s0] =	ssyncadd.tile.s32 @!p0 $0x1;
	_ =	shalt  }
.LBB2_6:
.Ltmp3:
0x18b: {  	(pc) =	sbr.rel .LBB2_5-.Ltmp3, $4  }
0x18c: {  	s26 =	simm.s32 $0xA  }
0x18d: {  	s28 =	simm.s32 $0x9;
	s31 =	simm.s32 $0x3;
	s1 =	simm.s32 $0x1  }
0x18e: {  	s0 =	simm.s32 $0x2;
	s3 =	simm.s32 $0x10600;
	s5 =	simm.s32 $0xC600  }
0x18f: {  	s7 =	simm.s32 $0x8600;
	s10 =	simm.s32 $0x4600;
	s12 =	simm.s32 $0x600  }
.Lfunc_end2:
_tile_overlayer_lowered:
.L_overlay_start_2:
0x190: {  	(tag) =	ssettag $0x2  }
0x191: {  	s0 =	rddreg [dreg:$0x0];
	s2 =	stileid.u32  }
0x192: {  	s1 =	rddreg [dreg:$0x1];
	p0 =	sne.s32 s2, $0x0  }
0x193: {  	s3 =	rddreg [dreg:$0x2];
	[bflag:$0x3] =	sbarrier.arrive $0xFFFF;
	s2 =	simm.s32 @!p0 $0x1C12  }
0x194: {  	[timem:s3], [sflag:s2] =	dma.local @!p0 [hbm:s0], s1  }
0x195: {  	s0 =	simm.s32 @!p0 $0x12  }
0x196: {  	_ =	swait.ge @!p0 [sflag:s0], s1  }
0x197: {  	s1 =	ssub.s32 @!p0 $0x0, s1;
	[sflag:s0] =	ssyncset.done @!p0 $0x0  }
0x198: {  	[sflag:s0] =	ssyncadd.s32 @!p0 s1  }
0x199: {  	[bflag:$0x3] =	sbarrier.arrive $0xFFFF  }
0x19a: {  	_ =	shalt  }

</sc_bundles>
